<compile_context>
chip_gen: v7x
topology: tpu7x:2x2x1
jax: 0.10.2.dev20260603
libtpu: 0.0.44.dev20260713+nightly
codegen_flags: <defaults>
</compile_context>

<pallas_src>
import functools

import jax
import jax.numpy as jnp
from jax import lax
from jax.experimental import pallas as pl
from jax.experimental.pallas import tpu as pltpu
from jax.experimental.pallas import tpu_sc as plsc

DIM = 32
L = 16
CH = 128
NW = 32
BIG = 2 ** 30
BN = 8192


def _relayout_tc(vocab):
    grid = ((vocab + BN - 1) // BN,)

    def body(wt_ref, out_ref):
        t = jnp.transpose(wt_ref[...], (1, 0))
        t3 = t.reshape(BN // 4, 4, DIM)
        out_ref[...] = jnp.concatenate(
            [t3[:, k, :] for k in range(4)], axis=1)

    return pl.pallas_call(
        body,
        grid=grid,
        in_specs=[pl.BlockSpec((DIM, BN), lambda i: (0, i))],
        out_specs=pl.BlockSpec((BN // 4, 4 * DIM), lambda i: (i, 0)),
        out_shape=jax.ShapeDtypeStruct((vocab // 4, 4 * DIM), jnp.float32),
    )


def _emb_bag_mean(total, b, vocab):
    nbpw = b // NW
    owin = nbpw + 2 * L
    opad = (NW - 1) * nbpw + owin
    nsteps = 1
    while (1 << nsteps) < nbpw + 2:
        nsteps += 1

    mesh = plsc.VectorSubcoreMesh(core_axis_name="c", subcore_axis_name="s")

    @functools.partial(
        pl.kernel,
        out_type=jax.ShapeDtypeStruct((b * DIM,), jnp.float32),
        mesh=mesh,
        compiler_params=pltpu.CompilerParams(use_tc_tiling_on_sc=False),
        scratch_types=[
            pltpu.VMEM((owin,), jnp.int32),
            pltpu.VMEM((CH,), jnp.int32),
            pltpu.VMEM((CH,), jnp.int32),
            pltpu.VMEM((CH, DIM), jnp.float32),
            pltpu.VMEM((CH, DIM), jnp.float32),
            pltpu.VMEM(((CH + 1) * DIM,), jnp.float32),
            pltpu.VMEM(((nbpw + 1) * DIM,), jnp.float32),
            pltpu.SemaphoreType.DMA,
            pltpu.SemaphoreType.DMA,
            pltpu.SemaphoreType.DMA,
            pltpu.SemaphoreType.DMA,
        ],
    )
    def emb_bag(ids_hbm, offs_hbm, w_hbm, out_hbm, offs_v, ids_v0, ids_v1,
                rows_v0, rows_v1, P_v, S_v, si0, si1, sg0, sg1):
        ids_v = (ids_v0, ids_v1)
        rows_v = (rows_v0, rows_v1)
        si = (si0, si1)
        sg = (sg0, sg1)

        wid = lax.axis_index("s") * 2 + lax.axis_index("c")
        base = pl.multiple_of(wid * nbpw, nbpw)
        pltpu.sync_copy(offs_hbm.at[pl.ds(base, owin)], offs_v)

        def oread(idx):
            return offs_v[pl.ds(idx, L)][0]

        def ubound(v):
            def step(_, c):
                lo, hi = c
                mid = (lo + hi) // 2
                le = oread(mid) <= v
                return jnp.where(le, mid + 1, lo), jnp.where(le, hi, mid)
            lo, _ = lax.fori_loop(
                0, nsteps, step,
                (jnp.asarray(0, jnp.int32), jnp.asarray(nbpw + 1, jnp.int32)))
            return lo

        start = oread(0)
        end = oread(nbpw)
        start0 = (start // 8) * 8
        zero = jnp.zeros((L,), jnp.float32)

        ub0 = ubound(start0)

        def preset(i, _):
            S_v[pl.ds(i * DIM, L)] = zero
            S_v[pl.ds(i * DIM + L, L)] = zero
            return 0
        lax.fori_loop(0, ub0, preset, 0)

        nch = (end - start0 + CH - 1) // CH
        nch2 = (jnp.maximum(nch, 1) + 1) // 2
        NCH = nch2 * 2
        last = (NCH - 1) * CH

        def addr(j):
            return pl.multiple_of(start0 + jnp.minimum(j * CH, last), 8)

        pltpu.async_copy(ids_hbm.at[pl.ds(addr(0), CH)], ids_v[0],
                         si[0]).wait()
        pltpu.async_copy(w_hbm.at[ids_v[0]], rows_v[0], sg[0])
        pltpu.async_copy(ids_hbm.at[pl.ds(addr(1), CH)], ids_v[1], si[1])

        def do_chunk(k, par, carry):
            ptr, s0, s1 = carry
            pos = start0 + k * CH
            pltpu.make_async_copy(w_hbm.at[ids_v[par]], rows_v[par],
                                  sg[par]).wait()
            pltpu.make_async_copy(ids_hbm.at[pl.ds(addr(k + 1), CH)],
                                  ids_v[1 - par], si[1 - par]).wait()
            pltpu.async_copy(w_hbm.at[ids_v[1 - par]], rows_v[1 - par],
                             sg[1 - par])
            pltpu.async_copy(ids_hbm.at[pl.ds(addr(k + 2), CH)], ids_v[par],
                             si[par])

            rows = rows_v[par]

            def scan_body(j, c):
                a0, a1 = c
                a0 = a0 + rows[j, pl.ds(0, L)]
                a1 = a1 + rows[j, pl.ds(L, L)]
                P_v[pl.ds((j + 1) * DIM, L)] = a0
                P_v[pl.ds((j + 1) * DIM + L, L)] = a1
                return a0, a1
            s0, s1 = lax.fori_loop(0, CH, scan_body, (s0, s1))

            ubk = ubound(pos + CH)

            def ext_body(i, _):
                bi = ptr + i
                rel = oread(bi) - pos
                S_v[pl.ds(bi * DIM, L)] = P_v[pl.ds(rel * DIM, L)]
                S_v[pl.ds(bi * DIM + L, L)] = P_v[pl.ds(rel * DIM + L, L)]
                return 0
            lax.fori_loop(0, ubk - ptr, ext_body, 0)
            return ubk, s0, s1

        def pair_body(k2, carry):
            carry = do_chunk(k2 * 2, 0, carry)
            carry = do_chunk(k2 * 2 + 1, 1, carry)
            return carry

        init = (ub0, zero, zero)
        lax.fori_loop(0, nch2, pair_body, init)

        pltpu.make_async_copy(w_hbm.at[ids_v[0]], rows_v[0], sg[0]).wait()
        pltpu.make_async_copy(ids_hbm.at[pl.ds(addr(NCH + 1), CH)], ids_v[1],
                              si[1]).wait()

        def div_body(i, c):
            p0, p1, bprev = c
            bnext = oread(i + 1)
            cnt = jnp.maximum((bnext - bprev).astype(jnp.float32), 1.0)
            inv = 1.0 / lax.broadcast(cnt, (L,))
            c0 = S_v[pl.ds((i + 1) * DIM, L)]
            c1 = S_v[pl.ds((i + 1) * DIM + L, L)]
            S_v[pl.ds(i * DIM, L)] = (c0 - p0) * inv
            S_v[pl.ds(i * DIM + L, L)] = (c1 - p1) * inv
            return c0, c1, bnext

        p0 = S_v[pl.ds(0, L)]
        p1 = S_v[pl.ds(L, L)]
        lax.fori_loop(0, nbpw, div_body, (p0, p1, start))

        pltpu.sync_copy(S_v.at[pl.ds(0, nbpw * DIM)],
                        out_hbm.at[pl.ds(pl.multiple_of(base * DIM, 8),
                                         nbpw * DIM)])

    return emb_bag


def kernel(ids, offsets, W):
    total = ids.shape[0]
    b = offsets.shape[0]
    vocab = W.shape[0]
    pad_ids = (jnp.arange(2 * CH, dtype=jnp.int32) * 1024) % vocab
    ids_pad = jnp.concatenate([ids, pad_ids])
    nbpw = b // NW
    opad = (NW - 1) * nbpw + nbpw + 2 * L
    offs_ext = jnp.concatenate([
        offsets,
        jnp.asarray([total], jnp.int32),
        jnp.full((opad - b - 1,), BIG, jnp.int32),
    ])
    W4 = _relayout_tc(vocab)(W.T)
    W_lin = W4.reshape(vocab, DIM)
    out = _emb_bag_mean(total, b, vocab)(ids_pad, offs_ext, W_lin)
    return out.reshape(b, DIM)

# --- scband reference (transcript-rebuilt; emitter-appended) ---
"""Pipeline reference for scband-static-model-82643760709646 (READ-ONLY COPY).

The authoritative reference and input builder live on the scoring server;
editing this copy changes nothing except your own understanding.
"""

import jax, jax.numpy as jnp
import numpy as np

VOCAB = 1000000
DIM = 32
B = 16384
TOTAL = 819200


def setup_inputs(seed: int = 0) -> dict:
    key = jax.random.key(seed)
    k1, k2, k3 = jax.random.split(key, 3)
    ids = jax.random.randint(k1, (TOTAL,), 0, VOCAB, dtype=jnp.int32)
    offsets = jnp.sort(jax.random.randint(k2, (B,), 0, TOTAL, dtype=jnp.int32))
    # torch.nn.EmbeddingBag requires offsets[0] == 0
    offsets = offsets.at[0].set(0)
    W = jax.random.normal(k3, (VOCAB, DIM), dtype=jnp.float32)
    return {"ids": ids, "offsets": offsets, "W": W}


def reference(ids, offsets, W):
    # EmbeddingBag(mode='mean') with offsets: bag i covers ids[offsets[i]:offsets[i+1]]
    emb = jnp.take(W, ids, axis=0)
    pos = jnp.arange(ids.shape[0])
    seg = jnp.searchsorted(offsets, pos, side="right") - 1
    num_bags = offsets.shape[0]
    sums = jax.ops.segment_sum(emb, seg, num_segments=num_bags)
    counts = jax.ops.segment_sum(jnp.ones((ids.shape[0],), jnp.float32), seg, num_segments=num_bags)
    means = sums / jnp.maximum(counts, 1.0)[:, None]
    # normalize=False in config, so no F.normalize
    return means

if __name__ == "__main__":
    import jax
    _d = setup_inputs()
    print(jax.jit(kernel)(*tuple(_d.values())))

</pallas_src>

<mosaic_0001>
#map = affine_map<(d0, d1) -> (0)>
#map1 = affine_map<(d0, d1) -> (0, 0)>
module attributes {stable_mosaic.version = 14 : i64} {
  func.func @emb_bag(%arg0: i32, %arg1: i32, %arg2: memref<819456xi32, #tpu.memory_space<hbm>>, %arg3: memref<16416xi32, #tpu.memory_space<hbm>>, %arg4: memref<1000000x32xf32, #tpu.memory_space<hbm>>, %arg5: memref<524288xf32, #tpu.memory_space<hbm>>, %arg6: memref<544xi32, #tpu.memory_space<vmem>>, %arg7: memref<128xi32, #tpu.memory_space<vmem>>, %arg8: memref<128xi32, #tpu.memory_space<vmem>>, %arg9: memref<128x32xf32, #tpu.memory_space<vmem>>, %arg10: memref<128x32xf32, #tpu.memory_space<vmem>>, %arg11: memref<4128xf32, #tpu.memory_space<vmem>>, %arg12: memref<16416xf32, #tpu.memory_space<vmem>>, %arg13: memref<!tpu.dma_semaphore, #tpu.memory_space<semaphore_mem>>, %arg14: memref<!tpu.dma_semaphore, #tpu.memory_space<semaphore_mem>>, %arg15: memref<!tpu.dma_semaphore, #tpu.memory_space<semaphore_mem>>, %arg16: memref<!tpu.dma_semaphore, #tpu.memory_space<semaphore_mem>>) attributes {dimension_semantics = [#tpu.dimension_semantics<core_parallel>, #tpu.dimension_semantics<subcore_parallel>], iteration_bounds = array<i64: 2, 16>, scalar_prefetch = 0 : i64, scratch_operands = 11 : i64, tpu.core_type = #tpu.core_type<sc_vector_subcore>, window_params = [{transform_indices = #map}, {transform_indices = #map}, {transform_indices = #map1}, {transform_indices = #map}]} {
    %mul3A = arith.constant 2 : i32
    %mul3A_0 = arith.muli %arg1, %mul3A : i32
    %add3A = arith.addi %mul3A_0, %arg0 : i32
    %mul3A_1 = arith.constant 512 : i32
    %mul3A_2 = arith.muli %add3A, %mul3A_1 : i32
    %multiple_of3A = tpu.assume_multiple %mul3A_2, 512 : i32
    "tpu.region"() ({
      %run_scoped3A = tpu.sem_alloc : memref<!tpu.dma_semaphore, #tpu.memory_space<semaphore_mem>>
      %dma_start3A_161 = tpu.memref_slice %arg3[%multiple_of3A] : memref<16416xi32, #tpu.memory_space<hbm>> -> memref<544xi32, #tpu.memory_space<hbm>>
      %dma_start3A_162 = tpu.memref_slice %arg3[%multiple_of3A] : memref<16416xi32, #tpu.memory_space<hbm>> -> memref<544xi32, #tpu.memory_space<hbm>>
      tpu.enqueue_dma source(%dma_start3A_162 : memref<544xi32, #tpu.memory_space<hbm>>) target(%arg6 : memref<544xi32, #tpu.memory_space<vmem>>) target_semaphore(%run_scoped3A : memref<!tpu.dma_semaphore, #tpu.memory_space<semaphore_mem>>)
      %dma_wait3A_163 = tpu.memref_slice %arg3[%multiple_of3A] : memref<16416xi32, #tpu.memory_space<hbm>> -> memref<544xi32, #tpu.memory_space<hbm>>
      %dma_wait3A_164 = tpu.memref_slice %arg3[%multiple_of3A] : memref<16416xi32, #tpu.memory_space<hbm>> -> memref<544xi32, #tpu.memory_space<hbm>>
      tpu.wait_dma2 semaphore(%run_scoped3A : memref<!tpu.dma_semaphore, #tpu.memory_space<semaphore_mem>>) src(%dma_wait3A_164 : memref<544xi32, #tpu.memory_space<hbm>>) dst(%arg6 : memref<544xi32, #tpu.memory_space<vmem>>)
      tpu.yield
    }) : () -> ()
    %get3A = arith.constant 0 : index
    %get3A_3 = tpu.vector_load %arg6[%get3A] {strides = array<i32>} : memref<544xi32, #tpu.memory_space<vmem>>, vector<16xi32>,
    %get3A_4 = vector.shape_cast %get3A_3 : vector<16xi32> to vector<16xi32>
    %slice3A = vector.extract_strided_slice %get3A_4 {offsets = [0], sizes = [1], strides = [1]} : vector<16xi32> to vector<1xi32>
    %squeeze3A = vector.extract %slice3A[0] : i32 from vector<1xi32>
    %get3A_5 = arith.constant 512 : index
    %get3A_6 = tpu.vector_load %arg6[%get3A_5] {strides = array<i32>} : memref<544xi32, #tpu.memory_space<vmem>>, vector<16xi32>,
    %get3A_7 = vector.shape_cast %get3A_6 : vector<16xi32> to vector<16xi32>
    %slice3A_8 = vector.extract_strided_slice %get3A_7 {offsets = [0], sizes = [1], strides = [1]} : vector<16xi32> to vector<1xi32>
    %squeeze3A_9 = vector.extract %slice3A_8[0] : i32 from vector<1xi32>
    %jit3A = arith.constant 8 : i32
    %div3A = arith.divsi %squeeze3A, %jit3A : i32
    %sign3A = arith.constant 0 : i32
    %sign3A_10 = arith.cmpi sgt, %squeeze3A, %sign3A : i32
    %sign3A_11 = arith.extui %sign3A_10 : i1 to i32
    %sign3A_12 = arith.constant 0 : i32
    %sign3A_13 = arith.cmpi slt, %squeeze3A, %sign3A_12 : i32
    %sign3A_14 = arith.extui %sign3A_13 : i1 to i32
    %sign3A_15 = arith.subi %sign3A_11, %sign3A_14 : i32
    %sign3A_16 = arith.constant 0 : i32
    %sign3A_17 = arith.cmpi sgt, %jit3A, %sign3A_16 : i32
    %sign3A_18 = arith.extui %sign3A_17 : i1 to i32
    %sign3A_19 = arith.constant 0 : i32
    %sign3A_20 = arith.cmpi slt, %jit3A, %sign3A_19 : i32
    %sign3A_21 = arith.extui %sign3A_20 : i1 to i32
    %sign3A_22 = arith.subi %sign3A_18, %sign3A_21 : i32
    %ne3A = arith.cmpi ne, %sign3A_15, %sign3A_22 : i32
    %rem3A = arith.remsi %squeeze3A, %jit3A : i32
    %ne3A_23 = arith.constant 0 : i32
    %ne3A_24 = arith.cmpi ne, %rem3A, %ne3A_23 : i32
    %and3A = arith.andi %ne3A, %ne3A_24 : i1
    %sub3A = arith.constant 1 : i32
    %sub3A_25 = arith.subi %div3A, %sub3A : i32
    %select_n3A = arith.select %and3A, %sub3A_25, %div3A : i32
    %mul3A_26 = arith.constant 8 : i32
    %mul3A_27 = arith.muli %select_n3A, %mul3A_26 : i32
    %broadcast_in_dim3A = arith.constant 0.000000e+00 : f32
    %broadcast_in_dim3A_28 = vector.broadcast %broadcast_in_dim3A : f32 to vector<16xf32>
    %scan3A = arith.constant 0 : i32
    %scan3A_29 = arith.constant 513 : i32
    %scan3A_30 = arith.constant 0 : i32
    %scan3A_31 = arith.constant 10 : i32
    %scan3A_32 = arith.addi %scan3A_30, %scan3A_31 : i32
    %scan3A_33 = arith.constant 1 : i32
    %scan3A_34:2 = scf.for %scan3A_161 = %scan3A_30 to %scan3A_32 step %scan3A_33 iter_args(%scan3A_162 = %scan3A, %scan3A_163 = %scan3A_29) -> (i32, i32)  : i32 {
      %add3A_164 = arith.addi %scan3A_162, %scan3A_163 : i32
      %jit3A_165 = arith.constant 2 : i32
      %div3A_166 = arith.divsi %add3A_164, %jit3A_165 : i32
      %sign3A_167 = arith.constant 0 : i32
      %sign3A_168 = arith.cmpi sgt, %add3A_164, %sign3A_167 : i32
      %sign3A_169 = arith.extui %sign3A_168 : i1 to i32
      %sign3A_170 = arith.constant 0 : i32
      %sign3A_171 = arith.cmpi slt, %add3A_164, %sign3A_170 : i32
      %sign3A_172 = arith.extui %sign3A_171 : i1 to i32
      %sign3A_173 = arith.subi %sign3A_169, %sign3A_172 : i32
      %sign3A_174 = arith.constant 0 : i32
      %sign3A_175 = arith.cmpi sgt, %jit3A_165, %sign3A_174 : i32
      %sign3A_176 = arith.extui %sign3A_175 : i1 to i32
      %sign3A_177 = arith.constant 0 : i32
      %sign3A_178 = arith.cmpi slt, %jit3A_165, %sign3A_177 : i32
      %sign3A_179 = arith.extui %sign3A_178 : i1 to i32
      %sign3A_180 = arith.subi %sign3A_176, %sign3A_179 : i32
      %ne3A_181 = arith.cmpi ne, %sign3A_173, %sign3A_180 : i32
      %rem3A_182 = arith.remsi %add3A_164, %jit3A_165 : i32
      %ne3A_183 = arith.constant 0 : i32
      %ne3A_184 = arith.cmpi ne, %rem3A_182, %ne3A_183 : i32
      %and3A_185 = arith.andi %ne3A_181, %ne3A_184 : i1
      %sub3A_186 = arith.constant 1 : i32
      %sub3A_187 = arith.subi %div3A_166, %sub3A_186 : i32
      %select_n3A_188 = arith.select %and3A_185, %sub3A_187, %div3A_166 : i32
      %get3A_189 = arith.index_cast %select_n3A_188 : i32 to index
      %get3A_190 = tpu.vector_load %arg6[%get3A_189] {strides = array<i32>} : memref<544xi32, #tpu.memory_space<vmem>>, vector<16xi32>,
      %get3A_191 = vector.shape_cast %get3A_190 : vector<16xi32> to vector<16xi32>
      %slice3A_192 = vector.extract_strided_slice %get3A_191 {offsets = [0], sizes = [1], strides = [1]} : vector<16xi32> to vector<1xi32>
      %squeeze3A_193 = vector.extract %slice3A_192[0] : i32 from vector<1xi32>
      %le3A = arith.cmpi sle, %squeeze3A_193, %mul3A_27 : i32
      %add3A_194 = arith.constant 1 : i32
      %add3A_195 = arith.addi %select_n3A_188, %add3A_194 : i32
      %select_n3A_196 = arith.select %le3A, %add3A_195, %scan3A_162 : i32
      %select_n3A_197 = arith.select %le3A, %scan3A_163, %select_n3A_188 : i32
      scf.yield %select_n3A_196, %select_n3A_197 : i32, i32
    }
    %scan3A_35 = arith.constant 10 : i32
    %while3A = arith.constant 0 : i32
    %while3A_36 = arith.constant 0 : i32
    %while3A_37 = arith.subi %scan3A_34#0, %while3A : i32
    %while3A_38 = arith.addi %while3A, %while3A_37 : i32
    %while3A_39 = arith.constant 1 : i32
    %while3A_40 = arith.divsi %while3A_37, %while3A_39 : i32
    %while3A_41 = arith.muli %while3A_40, %while3A_39 : i32
    %while3A_42 = arith.addi %while3A, %while3A_41 : i32
    %while3A_43 = arith.constant 1 : i32
    %while3A_44 = scf.for %while3A_161 = %while3A to %while3A_42 step %while3A_43 iter_args(%while3A_162 = %while3A_36) -> (i32)  : i32 {
      %mul3A_163 = arith.constant 32 : i32
      %mul3A_164 = arith.muli %while3A_161, %mul3A_163 : i32
      %swap3A = arith.index_cast %mul3A_164 : i32 to index
      %swap3A_165 = tpu.vector_load %arg12[%swap3A] {strides = array<i32>} : memref<16416xf32, #tpu.memory_space<vmem>>, vector<16xf32>,
      %swap3A_166 = vector.shape_cast %swap3A_165 : vector<16xf32> to vector<16xf32>
      %swap3A_167 = vector.shape_cast %broadcast_in_dim3A_28 : vector<16xf32> to vector<16xf32>
      tpu.vector_store %arg12[%swap3A], %swap3A_167 {strides = array<i32>} : memref<16416xf32, #tpu.memory_space<vmem>>, vector<16xf32>,
      %mul3A_168 = arith.constant 32 : i32
      %mul3A_169 = arith.muli %while3A_161, %mul3A_168 : i32
      %add3A_170 = arith.constant 16 : i32
      %add3A_171 = arith.addi %mul3A_169, %add3A_170 : i32
      %swap3A_172 = arith.index_cast %add3A_171 : i32 to index
      %swap3A_173 = tpu.vector_load %arg12[%swap3A_172] {strides = array<i32>} : memref<16416xf32, #tpu.memory_space<vmem>>, vector<16xf32>,
      %swap3A_174 = vector.shape_cast %swap3A_173 : vector<16xf32> to vector<16xf32>
      %swap3A_175 = vector.shape_cast %broadcast_in_dim3A_28 : vector<16xf32> to vector<16xf32>
      tpu.vector_store %arg12[%swap3A_172], %swap3A_175 {strides = array<i32>} : memref<16416xf32, #tpu.memory_space<vmem>>, vector<16xf32>,
      %while3A_176 = arith.constant 0 : i32
      scf.yield %while3A_176 : i32
    }
    %while3A_45 = arith.constant 1 : i32
    %while3A_46 = scf.for %while3A_161 = %while3A_42 to %while3A_38 step %while3A_45 iter_args(%while3A_162 = %while3A_44) -> (i32)  : i32 {
      %mul3A_163 = arith.constant 32 : i32
      %mul3A_164 = arith.muli %while3A_161, %mul3A_163 : i32
      %swap3A = arith.index_cast %mul3A_164 : i32 to index
      %swap3A_165 = tpu.vector_load %arg12[%swap3A] {strides = array<i32>} : memref<16416xf32, #tpu.memory_space<vmem>>, vector<16xf32>,
      %swap3A_166 = vector.shape_cast %swap3A_165 : vector<16xf32> to vector<16xf32>
      %swap3A_167 = vector.shape_cast %broadcast_in_dim3A_28 : vector<16xf32> to vector<16xf32>
      tpu.vector_store %arg12[%swap3A], %swap3A_167 {strides = array<i32>} : memref<16416xf32, #tpu.memory_space<vmem>>, vector<16xf32>,
      %mul3A_168 = arith.constant 32 : i32
      %mul3A_169 = arith.muli %while3A_161, %mul3A_168 : i32
      %add3A_170 = arith.constant 16 : i32
      %add3A_171 = arith.addi %mul3A_169, %add3A_170 : i32
      %swap3A_172 = arith.index_cast %add3A_171 : i32 to index
      %swap3A_173 = tpu.vector_load %arg12[%swap3A_172] {strides = array<i32>} : memref<16416xf32, #tpu.memory_space<vmem>>, vector<16xf32>,
      %swap3A_174 = vector.shape_cast %swap3A_173 : vector<16xf32> to vector<16xf32>
      %swap3A_175 = vector.shape_cast %broadcast_in_dim3A_28 : vector<16xf32> to vector<16xf32>
      tpu.vector_store %arg12[%swap3A_172], %swap3A_175 {strides = array<i32>} : memref<16416xf32, #tpu.memory_space<vmem>>, vector<16xf32>,
      %while3A_176 = arith.constant 0 : i32
      scf.yield %while3A_176 : i32
    }
    %sub3A_47 = arith.subi %squeeze3A_9, %mul3A_27 : i32
    %add3A_48 = arith.constant 128 : i32
    %add3A_49 = arith.addi %sub3A_47, %add3A_48 : i32
    %sub3A_50 = arith.constant 1 : i32
    %sub3A_51 = arith.subi %add3A_49, %sub3A_50 : i32
    %jit3A_52 = arith.constant 128 : i32
    %div3A_53 = arith.divsi %sub3A_51, %jit3A_52 : i32
    %sign3A_54 = arith.constant 0 : i32
    %sign3A_55 = arith.cmpi sgt, %sub3A_51, %sign3A_54 : i32
    %sign3A_56 = arith.extui %sign3A_55 : i1 to i32
    %sign3A_57 = arith.constant 0 : i32
    %sign3A_58 = arith.cmpi slt, %sub3A_51, %sign3A_57 : i32
    %sign3A_59 = arith.extui %sign3A_58 : i1 to i32
    %sign3A_60 = arith.subi %sign3A_56, %sign3A_59 : i32
    %sign3A_61 = arith.constant 0 : i32
    %sign3A_62 = arith.cmpi sgt, %jit3A_52, %sign3A_61 : i32
    %sign3A_63 = arith.extui %sign3A_62 : i1 to i32
    %sign3A_64 = arith.constant 0 : i32
    %sign3A_65 = arith.cmpi slt, %jit3A_52, %sign3A_64 : i32
    %sign3A_66 = arith.extui %sign3A_65 : i1 to i32
    %sign3A_67 = arith.subi %sign3A_63, %sign3A_66 : i32
    %ne3A_68 = arith.cmpi ne, %sign3A_60, %sign3A_67 : i32
    %rem3A_69 = arith.remsi %sub3A_51, %jit3A_52 : i32
    %ne3A_70 = arith.constant 0 : i32
    %ne3A_71 = arith.cmpi ne, %rem3A_69, %ne3A_70 : i32
    %and3A_72 = arith.andi %ne3A_68, %ne3A_71 : i1
    %sub3A_73 = arith.constant 1 : i32
    %sub3A_74 = arith.subi %div3A_53, %sub3A_73 : i32
    %select_n3A_75 = arith.select %and3A_72, %sub3A_74, %div3A_53 : i32
    %max3A = arith.constant 1 : i32
    %max3A_76 = arith.maxsi %select_n3A_75, %max3A : i32
    %add3A_77 = arith.constant 1 : i32
    %add3A_78 = arith.addi %max3A_76, %add3A_77 : i32
    %jit3A_79 = arith.constant 2 : i32
    %div3A_80 = arith.divsi %add3A_78, %jit3A_79 : i32
    %sign3A_81 = arith.constant 0 : i32
    %sign3A_82 = arith.cmpi sgt, %add3A_78, %sign3A_81 : i32
    %sign3A_83 = arith.extui %sign3A_82 : i1 to i32
    %sign3A_84 = arith.constant 0 : i32
    %sign3A_85 = arith.cmpi slt, %add3A_78, %sign3A_84 : i32
    %sign3A_86 = arith.extui %sign3A_85 : i1 to i32
    %sign3A_87 = arith.subi %sign3A_83, %sign3A_86 : i32
    %sign3A_88 = arith.constant 0 : i32
    %sign3A_89 = arith.cmpi sgt, %jit3A_79, %sign3A_88 : i32
    %sign3A_90 = arith.extui %sign3A_89 : i1 to i32
    %sign3A_91 = arith.constant 0 : i32
    %sign3A_92 = arith.cmpi slt, %jit3A_79, %sign3A_91 : i32
    %sign3A_93 = arith.extui %sign3A_92 : i1 to i32
    %sign3A_94 = arith.subi %sign3A_90, %sign3A_93 : i32
    %ne3A_95 = arith.cmpi ne, %sign3A_87, %sign3A_94 : i32
    %rem3A_96 = arith.remsi %add3A_78, %jit3A_79 : i32
    %ne3A_97 = arith.constant 0 : i32
    %ne3A_98 = arith.cmpi ne, %rem3A_96, %ne3A_97 : i32
    %and3A_99 = arith.andi %ne3A_95, %ne3A_98 : i1
    %sub3A_100 = arith.constant 1 : i32
    %sub3A_101 = arith.subi %div3A_80, %sub3A_100 : i32
    %select_n3A_102 = arith.select %and3A_99, %sub3A_101, %div3A_80 : i32
    %mul3A_103 = arith.constant 2 : i32
    %mul3A_104 = arith.muli %select_n3A_102, %mul3A_103 : i32
    %sub3A_105 = arith.constant 1 : i32
    %sub3A_106 = arith.subi %mul3A_104, %sub3A_105 : i32
    %mul3A_107 = arith.constant 128 : i32
    %mul3A_108 = arith.muli %sub3A_106, %mul3A_107 : i32
    %min3A = arith.constant 0 : i32
    %min3A_109 = arith.minsi %min3A, %mul3A_108 : i32
    %add3A_110 = arith.addi %mul3A_27, %min3A_109 : i32
    %multiple_of3A_111 = tpu.assume_multiple %add3A_110, 8 : i32
    %dma_start3A = tpu.memref_slice %arg2[%multiple_of3A_111] : memref<819456xi32, #tpu.memory_space<hbm>> -> memref<128xi32, #tpu.memory_space<hbm>>
    %dma_start3A_112 = tpu.memref_slice %arg2[%multiple_of3A_111] : memref<819456xi32, #tpu.memory_space<hbm>> -> memref<128xi32, #tpu.memory_space<hbm>>
    tpu.enqueue_dma source(%dma_start3A_112 : memref<128xi32, #tpu.memory_space<hbm>>) target(%arg7 : memref<128xi32, #tpu.memory_space<vmem>>) target_semaphore(%arg13 : memref<!tpu.dma_semaphore, #tpu.memory_space<semaphore_mem>>)
    %dma_wait3A = tpu.memref_slice %arg2[%multiple_of3A_111] : memref<819456xi32, #tpu.memory_space<hbm>> -> memref<128xi32, #tpu.memory_space<hbm>>
    %dma_wait3A_113 = tpu.memref_slice %arg2[%multiple_of3A_111] : memref<819456xi32, #tpu.memory_space<hbm>> -> memref<128xi32, #tpu.memory_space<hbm>>
    tpu.wait_dma2 semaphore(%arg13 : memref<!tpu.dma_semaphore, #tpu.memory_space<semaphore_mem>>) src(%dma_wait3A_113 : memref<128xi32, #tpu.memory_space<hbm>>) dst(%arg7 : memref<128xi32, #tpu.memory_space<vmem>>)
    %dma_start3A_114 = arith.constant 0 : i32
    %dma_start3A_115 = arith.constant 0 : i32
    %dma_start3A_116 = tpu.memref_slice %arg4[%dma_start3A_114, %dma_start3A_115] : memref<1000000x32xf32, #tpu.memory_space<hbm>> -> memref<1000000x32xf32, #tpu.memory_space<hbm>>
    tpu.enqueue_indirect_dma source(%dma_start3A_116 : memref<1000000x32xf32, #tpu.memory_space<hbm>>) target(%arg9 : memref<128x32xf32, #tpu.memory_space<vmem>>) offsets(%arg7 : memref<128xi32, #tpu.memory_space<vmem>>) semaphore(%arg15 : memref<!tpu.dma_semaphore, #tpu.memory_space<semaphore_mem>>)
    %min3A_117 = arith.constant 128 : i32
    %min3A_118 = arith.minsi %min3A_117, %mul3A_108 : i32
    %add3A_119 = arith.addi %mul3A_27, %min3A_118 : i32
    %multiple_of3A_120 = tpu.assume_multiple %add3A_119, 8 : i32
    %dma_start3A_121 = tpu.memref_slice %arg2[%multiple_of3A_120] : memref<819456xi32, #tpu.memory_space<hbm>> -> memref<128xi32, #tpu.memory_space<hbm>>
    %dma_start3A_122 = tpu.memref_slice %arg2[%multiple_of3A_120] : memref<819456xi32, #tpu.memory_space<hbm>> -> memref<128xi32, #tpu.memory_space<hbm>>
    tpu.enqueue_dma source(%dma_start3A_122 : memref<128xi32, #tpu.memory_space<hbm>>) target(%arg8 : memref<128xi32, #tpu.memory_space<vmem>>) target_semaphore(%arg14 : memref<!tpu.dma_semaphore, #tpu.memory_space<semaphore_mem>>)
    %while3A_123 = arith.constant 0 : i32
    %while3A_124 = arith.subi %select_n3A_102, %while3A_123 : i32
    %while3A_125 = arith.addi %while3A_123, %while3A_124 : i32
    %while3A_126 = arith.constant 1 : i32
    %while3A_127 = arith.divsi %while3A_124, %while3A_126 : i32
    %while3A_128 = arith.muli %while3A_127, %while3A_126 : i32
    %while3A_129 = arith.addi %while3A_123, %while3A_128 : i32
    %while3A_130 = arith.constant 1 : i32
    %while3A_131:3 = scf.for %while3A_161 = %while3A_123 to %while3A_129 step %while3A_130 iter_args(%while3A_162 = %scan3A_34#0, %while3A_163 = %broadcast_in_dim3A_28, %while3A_164 = %broadcast_in_dim3A_28) -> (i32, vector<16xf32>, vector<16xf32>)  : i32 {
      %mul3A_165 = arith.constant 2 : i32
      %mul3A_166 = arith.muli %while3A_161, %mul3A_165 : i32
      %mul3A_167 = arith.constant 128 : i32
      %mul3A_168 = arith.muli %mul3A_166, %mul3A_167 : i32
      %add3A_169 = arith.addi %mul3A_27, %mul3A_168 : i32
      %dma_wait3A_170 = arith.constant 0 : i32
      %dma_wait3A_171 = arith.constant 0 : i32
      %dma_wait3A_172 = tpu.memref_slice %arg4[%dma_wait3A_170, %dma_wait3A_171] : memref<1000000x32xf32, #tpu.memory_space<hbm>> -> memref<1000000x32xf32, #tpu.memory_space<hbm>>
      tpu.wait_indirect_dma semaphore(%arg15 : memref<!tpu.dma_semaphore, #tpu.memory_space<semaphore_mem>>) src(%dma_wait3A_172 : memref<1000000x32xf32, #tpu.memory_space<hbm>>) dst(%arg9 : memref<128x32xf32, #tpu.memory_space<vmem>>)
      %add3A_173 = arith.constant 1 : i32
      %add3A_174 = arith.addi %mul3A_166, %add3A_173 : i32
      %mul3A_175 = arith.constant 128 : i32
      %mul3A_176 = arith.muli %add3A_174, %mul3A_175 : i32
      %min3A_177 = arith.minsi %mul3A_176, %mul3A_108 : i32
      %add3A_178 = arith.addi %mul3A_27, %min3A_177 : i32
      %multiple_of3A_179 = tpu.assume_multiple %add3A_178, 8 : i32
      %dma_wait3A_180 = tpu.memref_slice %arg2[%multiple_of3A_179] : memref<819456xi32, #tpu.memory_space<hbm>> -> memref<128xi32, #tpu.memory_space<hbm>>
      %dma_wait3A_181 = tpu.memref_slice %arg2[%multiple_of3A_179] : memref<819456xi32, #tpu.memory_space<hbm>> -> memref<128xi32, #tpu.memory_space<hbm>>
      tpu.wait_dma2 semaphore(%arg14 : memref<!tpu.dma_semaphore, #tpu.memory_space<semaphore_mem>>) src(%dma_wait3A_181 : memref<128xi32, #tpu.memory_space<hbm>>) dst(%arg8 : memref<128xi32, #tpu.memory_space<vmem>>)
      %dma_start3A_182 = arith.constant 0 : i32
      %dma_start3A_183 = arith.constant 0 : i32
      %dma_start3A_184 = tpu.memref_slice %arg4[%dma_start3A_182, %dma_start3A_183] : memref<1000000x32xf32, #tpu.memory_space<hbm>> -> memref<1000000x32xf32, #tpu.memory_space<hbm>>
      tpu.enqueue_indirect_dma source(%dma_start3A_184 : memref<1000000x32xf32, #tpu.memory_space<hbm>>) target(%arg10 : memref<128x32xf32, #tpu.memory_space<vmem>>) offsets(%arg8 : memref<128xi32, #tpu.memory_space<vmem>>) semaphore(%arg16 : memref<!tpu.dma_semaphore, #tpu.memory_space<semaphore_mem>>)
      %add3A_185 = arith.constant 2 : i32
      %add3A_186 = arith.addi %mul3A_166, %add3A_185 : i32
      %mul3A_187 = arith.constant 128 : i32
      %mul3A_188 = arith.muli %add3A_186, %mul3A_187 : i32
      %min3A_189 = arith.minsi %mul3A_188, %mul3A_108 : i32
      %add3A_190 = arith.addi %mul3A_27, %min3A_189 : i32
      %multiple_of3A_191 = tpu.assume_multiple %add3A_190, 8 : i32
      %dma_start3A_192 = tpu.memref_slice %arg2[%multiple_of3A_191] : memref<819456xi32, #tpu.memory_space<hbm>> -> memref<128xi32, #tpu.memory_space<hbm>>
      %dma_start3A_193 = tpu.memref_slice %arg2[%multiple_of3A_191] : memref<819456xi32, #tpu.memory_space<hbm>> -> memref<128xi32, #tpu.memory_space<hbm>>
      tpu.enqueue_dma source(%dma_start3A_193 : memref<128xi32, #tpu.memory_space<hbm>>) target(%arg7 : memref<128xi32, #tpu.memory_space<vmem>>) target_semaphore(%arg13 : memref<!tpu.dma_semaphore, #tpu.memory_space<semaphore_mem>>)
      %scan3A_194 = arith.constant 0 : i32
      %scan3A_195 = arith.constant 128 : i32
      %scan3A_196 = arith.addi %scan3A_194, %scan3A_195 : i32
      %scan3A_197 = arith.constant 1 : i32
      %scan3A_198:2 = scf.for %scan3A_283 = %scan3A_194 to %scan3A_196 step %scan3A_197 iter_args(%scan3A_284 = %while3A_163, %scan3A_285 = %while3A_164) -> (vector<16xf32>, vector<16xf32>)  : i32 {
        %get3A_286 = arith.index_cast %scan3A_283 : i32 to index
        %get3A_287 = arith.constant 0 : index
        %get3A_288 = tpu.vector_load %arg9[%get3A_286, %get3A_287] {strides = array<i32>} : memref<128x32xf32, #tpu.memory_space<vmem>>, vector<1x16xf32>,
        %get3A_289 = vector.shape_cast %get3A_288 : vector<1x16xf32> to vector<16xf32>
        %add3A_290 = arith.addf %scan3A_284, %get3A_289 : vector<16xf32>
        %get3A_291 = arith.index_cast %scan3A_283 : i32 to index
        %get3A_292 = arith.constant 16 : index
        %get3A_293 = tpu.vector_load %arg9[%get3A_291, %get3A_292] {strides = array<i32>} : memref<128x32xf32, #tpu.memory_space<vmem>>, vector<1x16xf32>,
        %get3A_294 = vector.shape_cast %get3A_293 : vector<1x16xf32> to vector<16xf32>
        %add3A_295 = arith.addf %scan3A_285, %get3A_294 : vector<16xf32>
        %add3A_296 = arith.constant 1 : i32
        %add3A_297 = arith.addi %scan3A_283, %add3A_296 : i32
        %mul3A_298 = arith.constant 32 : i32
        %mul3A_299 = arith.muli %add3A_297, %mul3A_298 : i32
        %swap3A = arith.index_cast %mul3A_299 : i32 to index
        %swap3A_300 = tpu.vector_load %arg11[%swap3A] {strides = array<i32>} : memref<4128xf32, #tpu.memory_space<vmem>>, vector<16xf32>,
        %swap3A_301 = vector.shape_cast %swap3A_300 : vector<16xf32> to vector<16xf32>
        %swap3A_302 = vector.shape_cast %add3A_290 : vector<16xf32> to vector<16xf32>
        tpu.vector_store %arg11[%swap3A], %swap3A_302 {strides = array<i32>} : memref<4128xf32, #tpu.memory_space<vmem>>, vector<16xf32>,
        %add3A_303 = arith.constant 1 : i32
        %add3A_304 = arith.addi %scan3A_283, %add3A_303 : i32
        %mul3A_305 = arith.constant 32 : i32
        %mul3A_306 = arith.muli %add3A_304, %mul3A_305 : i32
        %add3A_307 = arith.constant 16 : i32
        %add3A_308 = arith.addi %mul3A_306, %add3A_307 : i32
        %swap3A_309 = arith.index_cast %add3A_308 : i32 to index
        %swap3A_310 = tpu.vector_load %arg11[%swap3A_309] {strides = array<i32>} : memref<4128xf32, #tpu.memory_space<vmem>>, vector<16xf32>,
        %swap3A_311 = vector.shape_cast %swap3A_310 : vector<16xf32> to vector<16xf32>
        %swap3A_312 = vector.shape_cast %add3A_295 : vector<16xf32> to vector<16xf32>
        tpu.vector_store %arg11[%swap3A_309], %swap3A_312 {strides = array<i32>} : memref<4128xf32, #tpu.memory_space<vmem>>, vector<16xf32>,
        scf.yield %add3A_290, %add3A_295 : vector<16xf32>, vector<16xf32>
      }
      %scan3A_199 = arith.constant 128 : i32
      %add3A_200 = arith.constant 128 : i32
      %add3A_201 = arith.addi %add3A_169, %add3A_200 : i32
      %scan3A_202 = arith.constant 0 : i32
      %scan3A_203 = arith.constant 513 : i32
      %scan3A_204 = arith.constant 0 : i32
      %scan3A_205 = arith.constant 10 : i32
      %scan3A_206 = arith.addi %scan3A_204, %scan3A_205 : i32
      %scan3A_207 = arith.constant 1 : i32
      %scan3A_208:2 = scf.for %scan3A_283 = %scan3A_204 to %scan3A_206 step %scan3A_207 iter_args(%scan3A_284 = %scan3A_202, %scan3A_285 = %scan3A_203) -> (i32, i32)  : i32 {
        %add3A_286 = arith.addi %scan3A_284, %scan3A_285 : i32
        %jit3A_287 = arith.constant 2 : i32
        %div3A_288 = arith.divsi %add3A_286, %jit3A_287 : i32
        %sign3A_289 = arith.constant 0 : i32
        %sign3A_290 = arith.cmpi sgt, %add3A_286, %sign3A_289 : i32
        %sign3A_291 = arith.extui %sign3A_290 : i1 to i32
        %sign3A_292 = arith.constant 0 : i32
        %sign3A_293 = arith.cmpi slt, %add3A_286, %sign3A_292 : i32
        %sign3A_294 = arith.extui %sign3A_293 : i1 to i32
        %sign3A_295 = arith.subi %sign3A_291, %sign3A_294 : i32
        %sign3A_296 = arith.constant 0 : i32
        %sign3A_297 = arith.cmpi sgt, %jit3A_287, %sign3A_296 : i32
        %sign3A_298 = arith.extui %sign3A_297 : i1 to i32
        %sign3A_299 = arith.constant 0 : i32
        %sign3A_300 = arith.cmpi slt, %jit3A_287, %sign3A_299 : i32
        %sign3A_301 = arith.extui %sign3A_300 : i1 to i32
        %sign3A_302 = arith.subi %sign3A_298, %sign3A_301 : i32
        %ne3A_303 = arith.cmpi ne, %sign3A_295, %sign3A_302 : i32
        %rem3A_304 = arith.remsi %add3A_286, %jit3A_287 : i32
        %ne3A_305 = arith.constant 0 : i32
        %ne3A_306 = arith.cmpi ne, %rem3A_304, %ne3A_305 : i32
        %and3A_307 = arith.andi %ne3A_303, %ne3A_306 : i1
        %sub3A_308 = arith.constant 1 : i32
        %sub3A_309 = arith.subi %div3A_288, %sub3A_308 : i32
        %select_n3A_310 = arith.select %and3A_307, %sub3A_309, %div3A_288 : i32
        %get3A_311 = arith.index_cast %select_n3A_310 : i32 to index
        %get3A_312 = tpu.vector_load %arg6[%get3A_311] {strides = array<i32>} : memref<544xi32, #tpu.memory_space<vmem>>, vector<16xi32>,
        %get3A_313 = vector.shape_cast %get3A_312 : vector<16xi32> to vector<16xi32>
        %slice3A_314 = vector.extract_strided_slice %get3A_313 {offsets = [0], sizes = [1], strides = [1]} : vector<16xi32> to vector<1xi32>
        %squeeze3A_315 = vector.extract %slice3A_314[0] : i32 from vector<1xi32>
        %le3A = arith.cmpi sle, %squeeze3A_315, %add3A_201 : i32
        %add3A_316 = arith.constant 1 : i32
        %add3A_317 = arith.addi %select_n3A_310, %add3A_316 : i32
        %select_n3A_318 = arith.select %le3A, %add3A_317, %scan3A_284 : i32
        %select_n3A_319 = arith.select %le3A, %scan3A_285, %select_n3A_310 : i32
        scf.yield %select_n3A_318, %select_n3A_319 : i32, i32
      }
      %scan3A_209 = arith.constant 10 : i32
      %sub3A_210 = arith.subi %scan3A_208#0, %while3A_162 : i32
      %while3A_211 = arith.constant 0 : i32
      %while3A_212 = arith.constant 0 : i32
      %while3A_213 = arith.subi %sub3A_210, %while3A_211 : i32
      %while3A_214 = arith.addi %while3A_211, %while3A_213 : i32
      %while3A_215 = arith.constant 1 : i32
      %while3A_216 = arith.divsi %while3A_213, %while3A_215 : i32
      %while3A_217 = arith.muli %while3A_216, %while3A_215 : i32
      %while3A_218 = arith.addi %while3A_211, %while3A_217 : i32
      %while3A_219 = arith.constant 1 : i32
      %while3A_220 = scf.for %while3A_283 = %while3A_211 to %while3A_218 step %while3A_219 iter_args(%while3A_284 = %while3A_212) -> (i32)  : i32 {
        %add3A_285 = arith.addi %while3A_162, %while3A_283 : i32
        %get3A_286 = arith.index_cast %add3A_285 : i32 to index
        %get3A_287 = tpu.vector_load %arg6[%get3A_286] {strides = array<i32>} : memref<544xi32, #tpu.memory_space<vmem>>, vector<16xi32>,
        %get3A_288 = vector.shape_cast %get3A_287 : vector<16xi32> to vector<16xi32>
        %slice3A_289 = vector.extract_strided_slice %get3A_288 {offsets = [0], sizes = [1], strides = [1]} : vector<16xi32> to vector<1xi32>
        %squeeze3A_290 = vector.extract %slice3A_289[0] : i32 from vector<1xi32>
        %sub3A_291 = arith.subi %squeeze3A_290, %add3A_169 : i32
        %mul3A_292 = arith.constant 32 : i32
        %mul3A_293 = arith.muli %sub3A_291, %mul3A_292 : i32
        %get3A_294 = arith.index_cast %mul3A_293 : i32 to index
        %get3A_295 = tpu.vector_load %arg11[%get3A_294] {strides = array<i32>} : memref<4128xf32, #tpu.memory_space<vmem>>, vector<16xf32>,
        %get3A_296 = vector.shape_cast %get3A_295 : vector<16xf32> to vector<16xf32>
        %mul3A_297 = arith.constant 32 : i32
        %mul3A_298 = arith.muli %add3A_285, %mul3A_297 : i32
        %swap3A = arith.index_cast %mul3A_298 : i32 to index
        %swap3A_299 = tpu.vector_load %arg12[%swap3A] {strides = array<i32>} : memref<16416xf32, #tpu.memory_space<vmem>>, vector<16xf32>,
        %swap3A_300 = vector.shape_cast %swap3A_299 : vector<16xf32> to vector<16xf32>
        %swap3A_301 = vector.shape_cast %get3A_296 : vector<16xf32> to vector<16xf32>
        tpu.vector_store %arg12[%swap3A], %swap3A_301 {strides = array<i32>} : memref<16416xf32, #tpu.memory_space<vmem>>, vector<16xf32>,
        %mul3A_302 = arith.constant 32 : i32
        %mul3A_303 = arith.muli %sub3A_291, %mul3A_302 : i32
        %add3A_304 = arith.constant 16 : i32
        %add3A_305 = arith.addi %mul3A_303, %add3A_304 : i32
        %get3A_306 = arith.index_cast %add3A_305 : i32 to index
        %get3A_307 = tpu.vector_load %arg11[%get3A_306] {strides = array<i32>} : memref<4128xf32, #tpu.memory_space<vmem>>, vector<16xf32>,
        %get3A_308 = vector.shape_cast %get3A_307 : vector<16xf32> to vector<16xf32>
        %mul3A_309 = arith.constant 32 : i32
        %mul3A_310 = arith.muli %add3A_285, %mul3A_309 : i32
        %add3A_311 = arith.constant 16 : i32
        %add3A_312 = arith.addi %mul3A_310, %add3A_311 : i32
        %swap3A_313 = arith.index_cast %add3A_312 : i32 to index
        %swap3A_314 = tpu.vector_load %arg12[%swap3A_313] {strides = array<i32>} : memref<16416xf32, #tpu.memory_space<vmem>>, vector<16xf32>,
        %swap3A_315 = vector.shape_cast %swap3A_314 : vector<16xf32> to vector<16xf32>
        %swap3A_316 = vector.shape_cast %get3A_308 : vector<16xf32> to vector<16xf32>
        tpu.vector_store %arg12[%swap3A_313], %swap3A_316 {strides = array<i32>} : memref<16416xf32, #tpu.memory_space<vmem>>, vector<16xf32>,
        %while3A_317 = arith.constant 0 : i32
        scf.yield %while3A_317 : i32
      }
      %while3A_221 = arith.constant 1 : i32
      %while3A_222 = scf.for %while3A_283 = %while3A_218 to %while3A_214 step %while3A_221 iter_args(%while3A_284 = %while3A_220) -> (i32)  : i32 {
        %add3A_285 = arith.addi %while3A_162, %while3A_283 : i32
        %get3A_286 = arith.index_cast %add3A_285 : i32 to index
        %get3A_287 = tpu.vector_load %arg6[%get3A_286] {strides = array<i32>} : memref<544xi32, #tpu.memory_space<vmem>>, vector<16xi32>,
        %get3A_288 = vector.shape_cast %get3A_287 : vector<16xi32> to vector<16xi32>
        %slice3A_289 = vector.extract_strided_slice %get3A_288 {offsets = [0], sizes = [1], strides = [1]} : vector<16xi32> to vector<1xi32>
        %squeeze3A_290 = vector.extract %slice3A_289[0] : i32 from vector<1xi32>
        %sub3A_291 = arith.subi %squeeze3A_290, %add3A_169 : i32
        %mul3A_292 = arith.constant 32 : i32
        %mul3A_293 = arith.muli %sub3A_291, %mul3A_292 : i32
        %get3A_294 = arith.index_cast %mul3A_293 : i32 to index
        %get3A_295 = tpu.vector_load %arg11[%get3A_294] {strides = array<i32>} : memref<4128xf32, #tpu.memory_space<vmem>>, vector<16xf32>,
        %get3A_296 = vector.shape_cast %get3A_295 : vector<16xf32> to vector<16xf32>
        %mul3A_297 = arith.constant 32 : i32
        %mul3A_298 = arith.muli %add3A_285, %mul3A_297 : i32
        %swap3A = arith.index_cast %mul3A_298 : i32 to index
        %swap3A_299 = tpu.vector_load %arg12[%swap3A] {strides = array<i32>} : memref<16416xf32, #tpu.memory_space<vmem>>, vector<16xf32>,
        %swap3A_300 = vector.shape_cast %swap3A_299 : vector<16xf32> to vector<16xf32>
        %swap3A_301 = vector.shape_cast %get3A_296 : vector<16xf32> to vector<16xf32>
        tpu.vector_store %arg12[%swap3A], %swap3A_301 {strides = array<i32>} : memref<16416xf32, #tpu.memory_space<vmem>>, vector<16xf32>,
        %mul3A_302 = arith.constant 32 : i32
        %mul3A_303 = arith.muli %sub3A_291, %mul3A_302 : i32
        %add3A_304 = arith.constant 16 : i32
        %add3A_305 = arith.addi %mul3A_303, %add3A_304 : i32
        %get3A_306 = arith.index_cast %add3A_305 : i32 to index
        %get3A_307 = tpu.vector_load %arg11[%get3A_306] {strides = array<i32>} : memref<4128xf32, #tpu.memory_space<vmem>>, vector<16xf32>,
        %get3A_308 = vector.shape_cast %get3A_307 : vector<16xf32> to vector<16xf32>
        %mul3A_309 = arith.constant 32 : i32
        %mul3A_310 = arith.muli %add3A_285, %mul3A_309 : i32
        %add3A_311 = arith.constant 16 : i32
        %add3A_312 = arith.addi %mul3A_310, %add3A_311 : i32
        %swap3A_313 = arith.index_cast %add3A_312 : i32 to index
        %swap3A_314 = tpu.vector_load %arg12[%swap3A_313] {strides = array<i32>} : memref<16416xf32, #tpu.memory_space<vmem>>, vector<16xf32>,
        %swap3A_315 = vector.shape_cast %swap3A_314 : vector<16xf32> to vector<16xf32>
        %swap3A_316 = vector.shape_cast %get3A_308 : vector<16xf32> to vector<16xf32>
        tpu.vector_store %arg12[%swap3A_313], %swap3A_316 {strides = array<i32>} : memref<16416xf32, #tpu.memory_space<vmem>>, vector<16xf32>,
        %while3A_317 = arith.constant 0 : i32
        scf.yield %while3A_317 : i32
      }
      %mul3A_223 = arith.constant 2 : i32
      %mul3A_224 = arith.muli %while3A_161, %mul3A_223 : i32
      %add3A_225 = arith.constant 1 : i32
      %add3A_226 = arith.addi %mul3A_224, %add3A_225 : i32
      %mul3A_227 = arith.constant 128 : i32
      %mul3A_228 = arith.muli %add3A_226, %mul3A_227 : i32
      %add3A_229 = arith.addi %mul3A_27, %mul3A_228 : i32
      %dma_wait3A_230 = arith.constant 0 : i32
      %dma_wait3A_231 = arith.constant 0 : i32
      %dma_wait3A_232 = tpu.memref_slice %arg4[%dma_wait3A_230, %dma_wait3A_231] : memref<1000000x32xf32, #tpu.memory_space<hbm>> -> memref<1000000x32xf32, #tpu.memory_space<hbm>>
      tpu.wait_indirect_dma semaphore(%arg16 : memref<!tpu.dma_semaphore, #tpu.memory_space<semaphore_mem>>) src(%dma_wait3A_232 : memref<1000000x32xf32, #tpu.memory_space<hbm>>) dst(%arg10 : memref<128x32xf32, #tpu.memory_space<vmem>>)
      %add3A_233 = arith.constant 1 : i32
      %add3A_234 = arith.addi %add3A_226, %add3A_233 : i32
      %mul3A_235 = arith.constant 128 : i32
      %mul3A_236 = arith.muli %add3A_234, %mul3A_235 : i32
      %min3A_237 = arith.minsi %mul3A_236, %mul3A_108 : i32
      %add3A_238 = arith.addi %mul3A_27, %min3A_237 : i32
      %multiple_of3A_239 = tpu.assume_multiple %add3A_238, 8 : i32
      %dma_wait3A_240 = tpu.memref_slice %arg2[%multiple_of3A_239] : memref<819456xi32, #tpu.memory_space<hbm>> -> memref<128xi32, #tpu.memory_space<hbm>>
      %dma_wait3A_241 = tpu.memref_slice %arg2[%multiple_of3A_239] : memref<819456xi32, #tpu.memory_space<hbm>> -> memref<128xi32, #tpu.memory_space<hbm>>
      tpu.wait_dma2 semaphore(%arg13 : memref<!tpu.dma_semaphore, #tpu.memory_space<semaphore_mem>>) src(%dma_wait3A_241 : memref<128xi32, #tpu.memory_space<hbm>>) dst(%arg7 : memref<128xi32, #tpu.memory_space<vmem>>)
      %dma_start3A_242 = arith.constant 0 : i32
      %dma_start3A_243 = arith.constant 0 : i32
      %dma_start3A_244 = tpu.memref_slice %arg4[%dma_start3A_242, %dma_start3A_243] : memref<1000000x32xf32, #tpu.memory_space<hbm>> -> memref<1000000x32xf32, #tpu.memory_space<hbm>>
      tpu.enqueue_indirect_dma source(%dma_start3A_244 : memref<1000000x32xf32, #tpu.memory_space<hbm>>) target(%arg9 : memref<128x32xf32, #tpu.memory_space<vmem>>) offsets(%arg7 : memref<128xi32, #tpu.memory_space<vmem>>) semaphore(%arg15 : memref<!tpu.dma_semaphore, #tpu.memory_space<semaphore_mem>>)
      %add3A_245 = arith.constant 2 : i32
      %add3A_246 = arith.addi %add3A_226, %add3A_245 : i32
      %mul3A_247 = arith.constant 128 : i32
      %mul3A_248 = arith.muli %add3A_246, %mul3A_247 : i32
      %min3A_249 = arith.minsi %mul3A_248, %mul3A_108 : i32
      %add3A_250 = arith.addi %mul3A_27, %min3A_249 : i32
      %multiple_of3A_251 = tpu.assume_multiple %add3A_250, 8 : i32
      %dma_start3A_252 = tpu.memref_slice %arg2[%multiple_of3A_251] : memref<819456xi32, #tpu.memory_space<hbm>> -> memref<128xi32, #tpu.memory_space<hbm>>
      %dma_start3A_253 = tpu.memref_slice %arg2[%multiple_of3A_251] : memref<819456xi32, #tpu.memory_space<hbm>> -> memref<128xi32, #tpu.memory_space<hbm>>
      tpu.enqueue_dma source(%dma_start3A_253 : memref<128xi32, #tpu.memory_space<hbm>>) target(%arg8 : memref<128xi32, #tpu.memory_space<vmem>>) target_semaphore(%arg14 : memref<!tpu.dma_semaphore, #tpu.memory_space<semaphore_mem>>)
      %scan3A_254 = arith.constant 0 : i32
      %scan3A_255 = arith.constant 128 : i32
      %scan3A_256 = arith.addi %scan3A_254, %scan3A_255 : i32
      %scan3A_257 = arith.constant 1 : i32
      %scan3A_258:2 = scf.for %scan3A_283 = %scan3A_254 to %scan3A_256 step %scan3A_257 iter_args(%scan3A_284 = %scan3A_198#0, %scan3A_285 = %scan3A_198#1) -> (vector<16xf32>, vector<16xf32>)  : i32 {
        %get3A_286 = arith.index_cast %scan3A_283 : i32 to index
        %get3A_287 = arith.constant 0 : index
        %get3A_288 = tpu.vector_load %arg10[%get3A_286, %get3A_287] {strides = array<i32>} : memref<128x32xf32, #tpu.memory_space<vmem>>, vector<1x16xf32>,
        %get3A_289 = vector.shape_cast %get3A_288 : vector<1x16xf32> to vector<16xf32>
        %add3A_290 = arith.addf %scan3A_284, %get3A_289 : vector<16xf32>
        %get3A_291 = arith.index_cast %scan3A_283 : i32 to index
        %get3A_292 = arith.constant 16 : index
        %get3A_293 = tpu.vector_load %arg10[%get3A_291, %get3A_292] {strides = array<i32>} : memref<128x32xf32, #tpu.memory_space<vmem>>, vector<1x16xf32>,
        %get3A_294 = vector.shape_cast %get3A_293 : vector<1x16xf32> to vector<16xf32>
        %add3A_295 = arith.addf %scan3A_285, %get3A_294 : vector<16xf32>
        %add3A_296 = arith.constant 1 : i32
        %add3A_297 = arith.addi %scan3A_283, %add3A_296 : i32
        %mul3A_298 = arith.constant 32 : i32
        %mul3A_299 = arith.muli %add3A_297, %mul3A_298 : i32
        %swap3A = arith.index_cast %mul3A_299 : i32 to index
        %swap3A_300 = tpu.vector_load %arg11[%swap3A] {strides = array<i32>} : memref<4128xf32, #tpu.memory_space<vmem>>, vector<16xf32>,
        %swap3A_301 = vector.shape_cast %swap3A_300 : vector<16xf32> to vector<16xf32>
        %swap3A_302 = vector.shape_cast %add3A_290 : vector<16xf32> to vector<16xf32>
        tpu.vector_store %arg11[%swap3A], %swap3A_302 {strides = array<i32>} : memref<4128xf32, #tpu.memory_space<vmem>>, vector<16xf32>,
        %add3A_303 = arith.constant 1 : i32
        %add3A_304 = arith.addi %scan3A_283, %add3A_303 : i32
        %mul3A_305 = arith.constant 32 : i32
        %mul3A_306 = arith.muli %add3A_304, %mul3A_305 : i32
        %add3A_307 = arith.constant 16 : i32
        %add3A_308 = arith.addi %mul3A_306, %add3A_307 : i32
        %swap3A_309 = arith.index_cast %add3A_308 : i32 to index
        %swap3A_310 = tpu.vector_load %arg11[%swap3A_309] {strides = array<i32>} : memref<4128xf32, #tpu.memory_space<vmem>>, vector<16xf32>,
        %swap3A_311 = vector.shape_cast %swap3A_310 : vector<16xf32> to vector<16xf32>
        %swap3A_312 = vector.shape_cast %add3A_295 : vector<16xf32> to vector<16xf32>
        tpu.vector_store %arg11[%swap3A_309], %swap3A_312 {strides = array<i32>} : memref<4128xf32, #tpu.memory_space<vmem>>, vector<16xf32>,
        scf.yield %add3A_290, %add3A_295 : vector<16xf32>, vector<16xf32>
      }
      %scan3A_259 = arith.constant 128 : i32
      %add3A_260 = arith.constant 128 : i32
      %add3A_261 = arith.addi %add3A_229, %add3A_260 : i32
      %scan3A_262 = arith.constant 0 : i32
      %scan3A_263 = arith.constant 513 : i32
      %scan3A_264 = arith.constant 0 : i32
      %scan3A_265 = arith.constant 10 : i32
      %scan3A_266 = arith.addi %scan3A_264, %scan3A_265 : i32
      %scan3A_267 = arith.constant 1 : i32
      %scan3A_268:2 = scf.for %scan3A_283 = %scan3A_264 to %scan3A_266 step %scan3A_267 iter_args(%scan3A_284 = %scan3A_262, %scan3A_285 = %scan3A_263) -> (i32, i32)  : i32 {
        %add3A_286 = arith.addi %scan3A_284, %scan3A_285 : i32
        %jit3A_287 = arith.constant 2 : i32
        %div3A_288 = arith.divsi %add3A_286, %jit3A_287 : i32
        %sign3A_289 = arith.constant 0 : i32
        %sign3A_290 = arith.cmpi sgt, %add3A_286, %sign3A_289 : i32
        %sign3A_291 = arith.extui %sign3A_290 : i1 to i32
        %sign3A_292 = arith.constant 0 : i32
        %sign3A_293 = arith.cmpi slt, %add3A_286, %sign3A_292 : i32
        %sign3A_294 = arith.extui %sign3A_293 : i1 to i32
        %sign3A_295 = arith.subi %sign3A_291, %sign3A_294 : i32
        %sign3A_296 = arith.constant 0 : i32
        %sign3A_297 = arith.cmpi sgt, %jit3A_287, %sign3A_296 : i32
        %sign3A_298 = arith.extui %sign3A_297 : i1 to i32
        %sign3A_299 = arith.constant 0 : i32
        %sign3A_300 = arith.cmpi slt, %jit3A_287, %sign3A_299 : i32
        %sign3A_301 = arith.extui %sign3A_300 : i1 to i32
        %sign3A_302 = arith.subi %sign3A_298, %sign3A_301 : i32
        %ne3A_303 = arith.cmpi ne, %sign3A_295, %sign3A_302 : i32
        %rem3A_304 = arith.remsi %add3A_286, %jit3A_287 : i32
        %ne3A_305 = arith.constant 0 : i32
        %ne3A_306 = arith.cmpi ne, %rem3A_304, %ne3A_305 : i32
        %and3A_307 = arith.andi %ne3A_303, %ne3A_306 : i1
        %sub3A_308 = arith.constant 1 : i32
        %sub3A_309 = arith.subi %div3A_288, %sub3A_308 : i32
        %select_n3A_310 = arith.select %and3A_307, %sub3A_309, %div3A_288 : i32
        %get3A_311 = arith.index_cast %select_n3A_310 : i32 to index
        %get3A_312 = tpu.vector_load %arg6[%get3A_311] {strides = array<i32>} : memref<544xi32, #tpu.memory_space<vmem>>, vector<16xi32>,
        %get3A_313 = vector.shape_cast %get3A_312 : vector<16xi32> to vector<16xi32>
        %slice3A_314 = vector.extract_strided_slice %get3A_313 {offsets = [0], sizes = [1], strides = [1]} : vector<16xi32> to vector<1xi32>
        %squeeze3A_315 = vector.extract %slice3A_314[0] : i32 from vector<1xi32>
        %le3A = arith.cmpi sle, %squeeze3A_315, %add3A_261 : i32
        %add3A_316 = arith.constant 1 : i32
        %add3A_317 = arith.addi %select_n3A_310, %add3A_316 : i32
        %select_n3A_318 = arith.select %le3A, %add3A_317, %scan3A_284 : i32
        %select_n3A_319 = arith.select %le3A, %scan3A_285, %select_n3A_310 : i32
        scf.yield %select_n3A_318, %select_n3A_319 : i32, i32
      }
      %scan3A_269 = arith.constant 10 : i32
      %sub3A_270 = arith.subi %scan3A_268#0, %scan3A_208#0 : i32
      %while3A_271 = arith.constant 0 : i32
      %while3A_272 = arith.constant 0 : i32
      %while3A_273 = arith.subi %sub3A_270, %while3A_271 : i32
      %while3A_274 = arith.addi %while3A_271, %while3A_273 : i32
      %while3A_275 = arith.constant 1 : i32
      %while3A_276 = arith.divsi %while3A_273, %while3A_275 : i32
      %while3A_277 = arith.muli %while3A_276, %while3A_275 : i32
      %while3A_278 = arith.addi %while3A_271, %while3A_277 : i32
      %while3A_279 = arith.constant 1 : i32
      %while3A_280 = scf.for %while3A_283 = %while3A_271 to %while3A_278 step %while3A_279 iter_args(%while3A_284 = %while3A_272) -> (i32)  : i32 {
        %add3A_285 = arith.addi %scan3A_208#0, %while3A_283 : i32
        %get3A_286 = arith.index_cast %add3A_285 : i32 to index
        %get3A_287 = tpu.vector_load %arg6[%get3A_286] {strides = array<i32>} : memref<544xi32, #tpu.memory_space<vmem>>, vector<16xi32>,
        %get3A_288 = vector.shape_cast %get3A_287 : vector<16xi32> to vector<16xi32>
        %slice3A_289 = vector.extract_strided_slice %get3A_288 {offsets = [0], sizes = [1], strides = [1]} : vector<16xi32> to vector<1xi32>
        %squeeze3A_290 = vector.extract %slice3A_289[0] : i32 from vector<1xi32>
        %sub3A_291 = arith.subi %squeeze3A_290, %add3A_229 : i32
        %mul3A_292 = arith.constant 32 : i32
        %mul3A_293 = arith.muli %sub3A_291, %mul3A_292 : i32
        %get3A_294 = arith.index_cast %mul3A_293 : i32 to index
        %get3A_295 = tpu.vector_load %arg11[%get3A_294] {strides = array<i32>} : memref<4128xf32, #tpu.memory_space<vmem>>, vector<16xf32>,
        %get3A_296 = vector.shape_cast %get3A_295 : vector<16xf32> to vector<16xf32>
        %mul3A_297 = arith.constant 32 : i32
        %mul3A_298 = arith.muli %add3A_285, %mul3A_297 : i32
        %swap3A = arith.index_cast %mul3A_298 : i32 to index
        %swap3A_299 = tpu.vector_load %arg12[%swap3A] {strides = array<i32>} : memref<16416xf32, #tpu.memory_space<vmem>>, vector<16xf32>,
        %swap3A_300 = vector.shape_cast %swap3A_299 : vector<16xf32> to vector<16xf32>
        %swap3A_301 = vector.shape_cast %get3A_296 : vector<16xf32> to vector<16xf32>
        tpu.vector_store %arg12[%swap3A], %swap3A_301 {strides = array<i32>} : memref<16416xf32, #tpu.memory_space<vmem>>, vector<16xf32>,
        %mul3A_302 = arith.constant 32 : i32
        %mul3A_303 = arith.muli %sub3A_291, %mul3A_302 : i32
        %add3A_304 = arith.constant 16 : i32
        %add3A_305 = arith.addi %mul3A_303, %add3A_304 : i32
        %get3A_306 = arith.index_cast %add3A_305 : i32 to index
        %get3A_307 = tpu.vector_load %arg11[%get3A_306] {strides = array<i32>} : memref<4128xf32, #tpu.memory_space<vmem>>, vector<16xf32>,
        %get3A_308 = vector.shape_cast %get3A_307 : vector<16xf32> to vector<16xf32>
        %mul3A_309 = arith.constant 32 : i32
        %mul3A_310 = arith.muli %add3A_285, %mul3A_309 : i32
        %add3A_311 = arith.constant 16 : i32
        %add3A_312 = arith.addi %mul3A_310, %add3A_311 : i32
        %swap3A_313 = arith.index_cast %add3A_312 : i32 to index
        %swap3A_314 = tpu.vector_load %arg12[%swap3A_313] {strides = array<i32>} : memref<16416xf32, #tpu.memory_space<vmem>>, vector<16xf32>,
        %swap3A_315 = vector.shape_cast %swap3A_314 : vector<16xf32> to vector<16xf32>
        %swap3A_316 = vector.shape_cast %get3A_308 : vector<16xf32> to vector<16xf32>
        tpu.vector_store %arg12[%swap3A_313], %swap3A_316 {strides = array<i32>} : memref<16416xf32, #tpu.memory_space<vmem>>, vector<16xf32>,
        %while3A_317 = arith.constant 0 : i32
        scf.yield %while3A_317 : i32
      }
      %while3A_281 = arith.constant 1 : i32
      %while3A_282 = scf.for %while3A_283 = %while3A_278 to %while3A_274 step %while3A_281 iter_args(%while3A_284 = %while3A_280) -> (i32)  : i32 {
        %add3A_285 = arith.addi %scan3A_208#0, %while3A_283 : i32
        %get3A_286 = arith.index_cast %add3A_285 : i32 to index
        %get3A_287 = tpu.vector_load %arg6[%get3A_286] {strides = array<i32>} : memref<544xi32, #tpu.memory_space<vmem>>, vector<16xi32>,
        %get3A_288 = vector.shape_cast %get3A_287 : vector<16xi32> to vector<16xi32>
        %slice3A_289 = vector.extract_strided_slice %get3A_288 {offsets = [0], sizes = [1], strides = [1]} : vector<16xi32> to vector<1xi32>
        %squeeze3A_290 = vector.extract %slice3A_289[0] : i32 from vector<1xi32>
        %sub3A_291 = arith.subi %squeeze3A_290, %add3A_229 : i32
        %mul3A_292 = arith.constant 32 : i32
        %mul3A_293 = arith.muli %sub3A_291, %mul3A_292 : i32
        %get3A_294 = arith.index_cast %mul3A_293 : i32 to index
        %get3A_295 = tpu.vector_load %arg11[%get3A_294] {strides = array<i32>} : memref<4128xf32, #tpu.memory_space<vmem>>, vector<16xf32>,
        %get3A_296 = vector.shape_cast %get3A_295 : vector<16xf32> to vector<16xf32>
        %mul3A_297 = arith.constant 32 : i32
        %mul3A_298 = arith.muli %add3A_285, %mul3A_297 : i32
        %swap3A = arith.index_cast %mul3A_298 : i32 to index
        %swap3A_299 = tpu.vector_load %arg12[%swap3A] {strides = array<i32>} : memref<16416xf32, #tpu.memory_space<vmem>>, vector<16xf32>,
        %swap3A_300 = vector.shape_cast %swap3A_299 : vector<16xf32> to vector<16xf32>
        %swap3A_301 = vector.shape_cast %get3A_296 : vector<16xf32> to vector<16xf32>
        tpu.vector_store %arg12[%swap3A], %swap3A_301 {strides = array<i32>} : memref<16416xf32, #tpu.memory_space<vmem>>, vector<16xf32>,
        %mul3A_302 = arith.constant 32 : i32
        %mul3A_303 = arith.muli %sub3A_291, %mul3A_302 : i32
        %add3A_304 = arith.constant 16 : i32
        %add3A_305 = arith.addi %mul3A_303, %add3A_304 : i32
        %get3A_306 = arith.index_cast %add3A_305 : i32 to index
        %get3A_307 = tpu.vector_load %arg11[%get3A_306] {strides = array<i32>} : memref<4128xf32, #tpu.memory_space<vmem>>, vector<16xf32>,
        %get3A_308 = vector.shape_cast %get3A_307 : vector<16xf32> to vector<16xf32>
        %mul3A_309 = arith.constant 32 : i32
        %mul3A_310 = arith.muli %add3A_285, %mul3A_309 : i32
        %add3A_311 = arith.constant 16 : i32
        %add3A_312 = arith.addi %mul3A_310, %add3A_311 : i32
        %swap3A_313 = arith.index_cast %add3A_312 : i32 to index
        %swap3A_314 = tpu.vector_load %arg12[%swap3A_313] {strides = array<i32>} : memref<16416xf32, #tpu.memory_space<vmem>>, vector<16xf32>,
        %swap3A_315 = vector.shape_cast %swap3A_314 : vector<16xf32> to vector<16xf32>
        %swap3A_316 = vector.shape_cast %get3A_308 : vector<16xf32> to vector<16xf32>
        tpu.vector_store %arg12[%swap3A_313], %swap3A_316 {strides = array<i32>} : memref<16416xf32, #tpu.memory_space<vmem>>, vector<16xf32>,
        %while3A_317 = arith.constant 0 : i32
        scf.yield %while3A_317 : i32
      }
      scf.yield %scan3A_268#0, %scan3A_258#0, %scan3A_258#1 : i32, vector<16xf32>, vector<16xf32>
    }
    %while3A_132 = arith.constant 1 : i32
    %while3A_133:3 = scf.for %while3A_161 = %while3A_129 to %while3A_125 step %while3A_132 iter_args(%while3A_162 = %while3A_131#0, %while3A_163 = %while3A_131#1, %while3A_164 = %while3A_131#2) -> (i32, vector<16xf32>, vector<16xf32>)  : i32 {
      %mul3A_165 = arith.constant 2 : i32
      %mul3A_166 = arith.muli %while3A_161, %mul3A_165 : i32
      %mul3A_167 = arith.constant 128 : i32
      %mul3A_168 = arith.muli %mul3A_166, %mul3A_167 : i32
      %add3A_169 = arith.addi %mul3A_27, %mul3A_168 : i32
      %dma_wait3A_170 = arith.constant 0 : i32
      %dma_wait3A_171 = arith.constant 0 : i32
      %dma_wait3A_172 = tpu.memref_slice %arg4[%dma_wait3A_170, %dma_wait3A_171] : memref<1000000x32xf32, #tpu.memory_space<hbm>> -> memref<1000000x32xf32, #tpu.memory_space<hbm>>
      tpu.wait_indirect_dma semaphore(%arg15 : memref<!tpu.dma_semaphore, #tpu.memory_space<semaphore_mem>>) src(%dma_wait3A_172 : memref<1000000x32xf32, #tpu.memory_space<hbm>>) dst(%arg9 : memref<128x32xf32, #tpu.memory_space<vmem>>)
      %add3A_173 = arith.constant 1 : i32
      %add3A_174 = arith.addi %mul3A_166, %add3A_173 : i32
      %mul3A_175 = arith.constant 128 : i32
      %mul3A_176 = arith.muli %add3A_174, %mul3A_175 : i32
      %min3A_177 = arith.minsi %mul3A_176, %mul3A_108 : i32
      %add3A_178 = arith.addi %mul3A_27, %min3A_177 : i32
      %multiple_of3A_179 = tpu.assume_multiple %add3A_178, 8 : i32
      %dma_wait3A_180 = tpu.memref_slice %arg2[%multiple_of3A_179] : memref<819456xi32, #tpu.memory_space<hbm>> -> memref<128xi32, #tpu.memory_space<hbm>>
      %dma_wait3A_181 = tpu.memref_slice %arg2[%multiple_of3A_179] : memref<819456xi32, #tpu.memory_space<hbm>> -> memref<128xi32, #tpu.memory_space<hbm>>
      tpu.wait_dma2 semaphore(%arg14 : memref<!tpu.dma_semaphore, #tpu.memory_space<semaphore_mem>>) src(%dma_wait3A_181 : memref<128xi32, #tpu.memory_space<hbm>>) dst(%arg8 : memref<128xi32, #tpu.memory_space<vmem>>)
      %dma_start3A_182 = arith.constant 0 : i32
      %dma_start3A_183 = arith.constant 0 : i32
      %dma_start3A_184 = tpu.memref_slice %arg4[%dma_start3A_182, %dma_start3A_183] : memref<1000000x32xf32, #tpu.memory_space<hbm>> -> memref<1000000x32xf32, #tpu.memory_space<hbm>>
      tpu.enqueue_indirect_dma source(%dma_start3A_184 : memref<1000000x32xf32, #tpu.memory_space<hbm>>) target(%arg10 : memref<128x32xf32, #tpu.memory_space<vmem>>) offsets(%arg8 : memref<128xi32, #tpu.memory_space<vmem>>) semaphore(%arg16 : memref<!tpu.dma_semaphore, #tpu.memory_space<semaphore_mem>>)
      %add3A_185 = arith.constant 2 : i32
      %add3A_186 = arith.addi %mul3A_166, %add3A_185 : i32
      %mul3A_187 = arith.constant 128 : i32
      %mul3A_188 = arith.muli %add3A_186, %mul3A_187 : i32
      %min3A_189 = arith.minsi %mul3A_188, %mul3A_108 : i32
      %add3A_190 = arith.addi %mul3A_27, %min3A_189 : i32
      %multiple_of3A_191 = tpu.assume_multiple %add3A_190, 8 : i32
      %dma_start3A_192 = tpu.memref_slice %arg2[%multiple_of3A_191] : memref<819456xi32, #tpu.memory_space<hbm>> -> memref<128xi32, #tpu.memory_space<hbm>>
      %dma_start3A_193 = tpu.memref_slice %arg2[%multiple_of3A_191] : memref<819456xi32, #tpu.memory_space<hbm>> -> memref<128xi32, #tpu.memory_space<hbm>>
      tpu.enqueue_dma source(%dma_start3A_193 : memref<128xi32, #tpu.memory_space<hbm>>) target(%arg7 : memref<128xi32, #tpu.memory_space<vmem>>) target_semaphore(%arg13 : memref<!tpu.dma_semaphore, #tpu.memory_space<semaphore_mem>>)
      %scan3A_194 = arith.constant 0 : i32
      %scan3A_195 = arith.constant 128 : i32
      %scan3A_196 = arith.addi %scan3A_194, %scan3A_195 : i32
      %scan3A_197 = arith.constant 1 : i32
      %scan3A_198:2 = scf.for %scan3A_283 = %scan3A_194 to %scan3A_196 step %scan3A_197 iter_args(%scan3A_284 = %while3A_163, %scan3A_285 = %while3A_164) -> (vector<16xf32>, vector<16xf32>)  : i32 {
        %get3A_286 = arith.index_cast %scan3A_283 : i32 to index
        %get3A_287 = arith.constant 0 : index
        %get3A_288 = tpu.vector_load %arg9[%get3A_286, %get3A_287] {strides = array<i32>} : memref<128x32xf32, #tpu.memory_space<vmem>>, vector<1x16xf32>,
        %get3A_289 = vector.shape_cast %get3A_288 : vector<1x16xf32> to vector<16xf32>
        %add3A_290 = arith.addf %scan3A_284, %get3A_289 : vector<16xf32>
        %get3A_291 = arith.index_cast %scan3A_283 : i32 to index
        %get3A_292 = arith.constant 16 : index
        %get3A_293 = tpu.vector_load %arg9[%get3A_291, %get3A_292] {strides = array<i32>} : memref<128x32xf32, #tpu.memory_space<vmem>>, vector<1x16xf32>,
        %get3A_294 = vector.shape_cast %get3A_293 : vector<1x16xf32> to vector<16xf32>
        %add3A_295 = arith.addf %scan3A_285, %get3A_294 : vector<16xf32>
        %add3A_296 = arith.constant 1 : i32
        %add3A_297 = arith.addi %scan3A_283, %add3A_296 : i32
        %mul3A_298 = arith.constant 32 : i32
        %mul3A_299 = arith.muli %add3A_297, %mul3A_298 : i32
        %swap3A = arith.index_cast %mul3A_299 : i32 to index
        %swap3A_300 = tpu.vector_load %arg11[%swap3A] {strides = array<i32>} : memref<4128xf32, #tpu.memory_space<vmem>>, vector<16xf32>,
        %swap3A_301 = vector.shape_cast %swap3A_300 : vector<16xf32> to vector<16xf32>
        %swap3A_302 = vector.shape_cast %add3A_290 : vector<16xf32> to vector<16xf32>
        tpu.vector_store %arg11[%swap3A], %swap3A_302 {strides = array<i32>} : memref<4128xf32, #tpu.memory_space<vmem>>, vector<16xf32>,
        %add3A_303 = arith.constant 1 : i32
        %add3A_304 = arith.addi %scan3A_283, %add3A_303 : i32
        %mul3A_305 = arith.constant 32 : i32
        %mul3A_306 = arith.muli %add3A_304, %mul3A_305 : i32
        %add3A_307 = arith.constant 16 : i32
        %add3A_308 = arith.addi %mul3A_306, %add3A_307 : i32
        %swap3A_309 = arith.index_cast %add3A_308 : i32 to index
        %swap3A_310 = tpu.vector_load %arg11[%swap3A_309] {strides = array<i32>} : memref<4128xf32, #tpu.memory_space<vmem>>, vector<16xf32>,
        %swap3A_311 = vector.shape_cast %swap3A_310 : vector<16xf32> to vector<16xf32>
        %swap3A_312 = vector.shape_cast %add3A_295 : vector<16xf32> to vector<16xf32>
        tpu.vector_store %arg11[%swap3A_309], %swap3A_312 {strides = array<i32>} : memref<4128xf32, #tpu.memory_space<vmem>>, vector<16xf32>,
        scf.yield %add3A_290, %add3A_295 : vector<16xf32>, vector<16xf32>
      }
      %scan3A_199 = arith.constant 128 : i32
      %add3A_200 = arith.constant 128 : i32
      %add3A_201 = arith.addi %add3A_169, %add3A_200 : i32
      %scan3A_202 = arith.constant 0 : i32
      %scan3A_203 = arith.constant 513 : i32
      %scan3A_204 = arith.constant 0 : i32
      %scan3A_205 = arith.constant 10 : i32
      %scan3A_206 = arith.addi %scan3A_204, %scan3A_205 : i32
      %scan3A_207 = arith.constant 1 : i32
      %scan3A_208:2 = scf.for %scan3A_283 = %scan3A_204 to %scan3A_206 step %scan3A_207 iter_args(%scan3A_284 = %scan3A_202, %scan3A_285 = %scan3A_203) -> (i32, i32)  : i32 {
        %add3A_286 = arith.addi %scan3A_284, %scan3A_285 : i32
        %jit3A_287 = arith.constant 2 : i32
        %div3A_288 = arith.divsi %add3A_286, %jit3A_287 : i32
        %sign3A_289 = arith.constant 0 : i32
        %sign3A_290 = arith.cmpi sgt, %add3A_286, %sign3A_289 : i32
        %sign3A_291 = arith.extui %sign3A_290 : i1 to i32
        %sign3A_292 = arith.constant 0 : i32
        %sign3A_293 = arith.cmpi slt, %add3A_286, %sign3A_292 : i32
        %sign3A_294 = arith.extui %sign3A_293 : i1 to i32
        %sign3A_295 = arith.subi %sign3A_291, %sign3A_294 : i32
        %sign3A_296 = arith.constant 0 : i32
        %sign3A_297 = arith.cmpi sgt, %jit3A_287, %sign3A_296 : i32
        %sign3A_298 = arith.extui %sign3A_297 : i1 to i32
        %sign3A_299 = arith.constant 0 : i32
        %sign3A_300 = arith.cmpi slt, %jit3A_287, %sign3A_299 : i32
        %sign3A_301 = arith.extui %sign3A_300 : i1 to i32
        %sign3A_302 = arith.subi %sign3A_298, %sign3A_301 : i32
        %ne3A_303 = arith.cmpi ne, %sign3A_295, %sign3A_302 : i32
        %rem3A_304 = arith.remsi %add3A_286, %jit3A_287 : i32
        %ne3A_305 = arith.constant 0 : i32
        %ne3A_306 = arith.cmpi ne, %rem3A_304, %ne3A_305 : i32
        %and3A_307 = arith.andi %ne3A_303, %ne3A_306 : i1
        %sub3A_308 = arith.constant 1 : i32
        %sub3A_309 = arith.subi %div3A_288, %sub3A_308 : i32
        %select_n3A_310 = arith.select %and3A_307, %sub3A_309, %div3A_288 : i32
        %get3A_311 = arith.index_cast %select_n3A_310 : i32 to index
        %get3A_312 = tpu.vector_load %arg6[%get3A_311] {strides = array<i32>} : memref<544xi32, #tpu.memory_space<vmem>>, vector<16xi32>,
        %get3A_313 = vector.shape_cast %get3A_312 : vector<16xi32> to vector<16xi32>
        %slice3A_314 = vector.extract_strided_slice %get3A_313 {offsets = [0], sizes = [1], strides = [1]} : vector<16xi32> to vector<1xi32>
        %squeeze3A_315 = vector.extract %slice3A_314[0] : i32 from vector<1xi32>
        %le3A = arith.cmpi sle, %squeeze3A_315, %add3A_201 : i32
        %add3A_316 = arith.constant 1 : i32
        %add3A_317 = arith.addi %select_n3A_310, %add3A_316 : i32
        %select_n3A_318 = arith.select %le3A, %add3A_317, %scan3A_284 : i32
        %select_n3A_319 = arith.select %le3A, %scan3A_285, %select_n3A_310 : i32
        scf.yield %select_n3A_318, %select_n3A_319 : i32, i32
      }
      %scan3A_209 = arith.constant 10 : i32
      %sub3A_210 = arith.subi %scan3A_208#0, %while3A_162 : i32
      %while3A_211 = arith.constant 0 : i32
      %while3A_212 = arith.constant 0 : i32
      %while3A_213 = arith.subi %sub3A_210, %while3A_211 : i32
      %while3A_214 = arith.addi %while3A_211, %while3A_213 : i32
      %while3A_215 = arith.constant 1 : i32
      %while3A_216 = arith.divsi %while3A_213, %while3A_215 : i32
      %while3A_217 = arith.muli %while3A_216, %while3A_215 : i32
      %while3A_218 = arith.addi %while3A_211, %while3A_217 : i32
      %while3A_219 = arith.constant 1 : i32
      %while3A_220 = scf.for %while3A_283 = %while3A_211 to %while3A_218 step %while3A_219 iter_args(%while3A_284 = %while3A_212) -> (i32)  : i32 {
        %add3A_285 = arith.addi %while3A_162, %while3A_283 : i32
        %get3A_286 = arith.index_cast %add3A_285 : i32 to index
        %get3A_287 = tpu.vector_load %arg6[%get3A_286] {strides = array<i32>} : memref<544xi32, #tpu.memory_space<vmem>>, vector<16xi32>,
        %get3A_288 = vector.shape_cast %get3A_287 : vector<16xi32> to vector<16xi32>
        %slice3A_289 = vector.extract_strided_slice %get3A_288 {offsets = [0], sizes = [1], strides = [1]} : vector<16xi32> to vector<1xi32>
        %squeeze3A_290 = vector.extract %slice3A_289[0] : i32 from vector<1xi32>
        %sub3A_291 = arith.subi %squeeze3A_290, %add3A_169 : i32
        %mul3A_292 = arith.constant 32 : i32
        %mul3A_293 = arith.muli %sub3A_291, %mul3A_292 : i32
        %get3A_294 = arith.index_cast %mul3A_293 : i32 to index
        %get3A_295 = tpu.vector_load %arg11[%get3A_294] {strides = array<i32>} : memref<4128xf32, #tpu.memory_space<vmem>>, vector<16xf32>,
        %get3A_296 = vector.shape_cast %get3A_295 : vector<16xf32> to vector<16xf32>
        %mul3A_297 = arith.constant 32 : i32
        %mul3A_298 = arith.muli %add3A_285, %mul3A_297 : i32
        %swap3A = arith.index_cast %mul3A_298 : i32 to index
        %swap3A_299 = tpu.vector_load %arg12[%swap3A] {strides = array<i32>} : memref<16416xf32, #tpu.memory_space<vmem>>, vector<16xf32>,
        %swap3A_300 = vector.shape_cast %swap3A_299 : vector<16xf32> to vector<16xf32>
        %swap3A_301 = vector.shape_cast %get3A_296 : vector<16xf32> to vector<16xf32>
        tpu.vector_store %arg12[%swap3A], %swap3A_301 {strides = array<i32>} : memref<16416xf32, #tpu.memory_space<vmem>>, vector<16xf32>,
        %mul3A_302 = arith.constant 32 : i32
        %mul3A_303 = arith.muli %sub3A_291, %mul3A_302 : i32
        %add3A_304 = arith.constant 16 : i32
        %add3A_305 = arith.addi %mul3A_303, %add3A_304 : i32
        %get3A_306 = arith.index_cast %add3A_305 : i32 to index
        %get3A_307 = tpu.vector_load %arg11[%get3A_306] {strides = array<i32>} : memref<4128xf32, #tpu.memory_space<vmem>>, vector<16xf32>,
        %get3A_308 = vector.shape_cast %get3A_307 : vector<16xf32> to vector<16xf32>
        %mul3A_309 = arith.constant 32 : i32
        %mul3A_310 = arith.muli %add3A_285, %mul3A_309 : i32
        %add3A_311 = arith.constant 16 : i32
        %add3A_312 = arith.addi %mul3A_310, %add3A_311 : i32
        %swap3A_313 = arith.index_cast %add3A_312 : i32 to index
        %swap3A_314 = tpu.vector_load %arg12[%swap3A_313] {strides = array<i32>} : memref<16416xf32, #tpu.memory_space<vmem>>, vector<16xf32>,
        %swap3A_315 = vector.shape_cast %swap3A_314 : vector<16xf32> to vector<16xf32>
        %swap3A_316 = vector.shape_cast %get3A_308 : vector<16xf32> to vector<16xf32>
        tpu.vector_store %arg12[%swap3A_313], %swap3A_316 {strides = array<i32>} : memref<16416xf32, #tpu.memory_space<vmem>>, vector<16xf32>,
        %while3A_317 = arith.constant 0 : i32
        scf.yield %while3A_317 : i32
      }
      %while3A_221 = arith.constant 1 : i32
      %while3A_222 = scf.for %while3A_283 = %while3A_218 to %while3A_214 step %while3A_221 iter_args(%while3A_284 = %while3A_220) -> (i32)  : i32 {
        %add3A_285 = arith.addi %while3A_162, %while3A_283 : i32
        %get3A_286 = arith.index_cast %add3A_285 : i32 to index
        %get3A_287 = tpu.vector_load %arg6[%get3A_286] {strides = array<i32>} : memref<544xi32, #tpu.memory_space<vmem>>, vector<16xi32>,
        %get3A_288 = vector.shape_cast %get3A_287 : vector<16xi32> to vector<16xi32>
        %slice3A_289 = vector.extract_strided_slice %get3A_288 {offsets = [0], sizes = [1], strides = [1]} : vector<16xi32> to vector<1xi32>
        %squeeze3A_290 = vector.extract %slice3A_289[0] : i32 from vector<1xi32>
        %sub3A_291 = arith.subi %squeeze3A_290, %add3A_169 : i32
        %mul3A_292 = arith.constant 32 : i32
        %mul3A_293 = arith.muli %sub3A_291, %mul3A_292 : i32
        %get3A_294 = arith.index_cast %mul3A_293 : i32 to index
        %get3A_295 = tpu.vector_load %arg11[%get3A_294] {strides = array<i32>} : memref<4128xf32, #tpu.memory_space<vmem>>, vector<16xf32>,
        %get3A_296 = vector.shape_cast %get3A_295 : vector<16xf32> to vector<16xf32>
        %mul3A_297 = arith.constant 32 : i32
        %mul3A_298 = arith.muli %add3A_285, %mul3A_297 : i32
        %swap3A = arith.index_cast %mul3A_298 : i32 to index
        %swap3A_299 = tpu.vector_load %arg12[%swap3A] {strides = array<i32>} : memref<16416xf32, #tpu.memory_space<vmem>>, vector<16xf32>,
        %swap3A_300 = vector.shape_cast %swap3A_299 : vector<16xf32> to vector<16xf32>
        %swap3A_301 = vector.shape_cast %get3A_296 : vector<16xf32> to vector<16xf32>
        tpu.vector_store %arg12[%swap3A], %swap3A_301 {strides = array<i32>} : memref<16416xf32, #tpu.memory_space<vmem>>, vector<16xf32>,
        %mul3A_302 = arith.constant 32 : i32
        %mul3A_303 = arith.muli %sub3A_291, %mul3A_302 : i32
        %add3A_304 = arith.constant 16 : i32
        %add3A_305 = arith.addi %mul3A_303, %add3A_304 : i32
        %get3A_306 = arith.index_cast %add3A_305 : i32 to index
        %get3A_307 = tpu.vector_load %arg11[%get3A_306] {strides = array<i32>} : memref<4128xf32, #tpu.memory_space<vmem>>, vector<16xf32>,
        %get3A_308 = vector.shape_cast %get3A_307 : vector<16xf32> to vector<16xf32>
        %mul3A_309 = arith.constant 32 : i32
        %mul3A_310 = arith.muli %add3A_285, %mul3A_309 : i32
        %add3A_311 = arith.constant 16 : i32
        %add3A_312 = arith.addi %mul3A_310, %add3A_311 : i32
        %swap3A_313 = arith.index_cast %add3A_312 : i32 to index
        %swap3A_314 = tpu.vector_load %arg12[%swap3A_313] {strides = array<i32>} : memref<16416xf32, #tpu.memory_space<vmem>>, vector<16xf32>,
        %swap3A_315 = vector.shape_cast %swap3A_314 : vector<16xf32> to vector<16xf32>
        %swap3A_316 = vector.shape_cast %get3A_308 : vector<16xf32> to vector<16xf32>
        tpu.vector_store %arg12[%swap3A_313], %swap3A_316 {strides = array<i32>} : memref<16416xf32, #tpu.memory_space<vmem>>, vector<16xf32>,
        %while3A_317 = arith.constant 0 : i32
        scf.yield %while3A_317 : i32
      }
      %mul3A_223 = arith.constant 2 : i32
      %mul3A_224 = arith.muli %while3A_161, %mul3A_223 : i32
      %add3A_225 = arith.constant 1 : i32
      %add3A_226 = arith.addi %mul3A_224, %add3A_225 : i32
      %mul3A_227 = arith.constant 128 : i32
      %mul3A_228 = arith.muli %add3A_226, %mul3A_227 : i32
      %add3A_229 = arith.addi %mul3A_27, %mul3A_228 : i32
      %dma_wait3A_230 = arith.constant 0 : i32
      %dma_wait3A_231 = arith.constant 0 : i32
      %dma_wait3A_232 = tpu.memref_slice %arg4[%dma_wait3A_230, %dma_wait3A_231] : memref<1000000x32xf32, #tpu.memory_space<hbm>> -> memref<1000000x32xf32, #tpu.memory_space<hbm>>
      tpu.wait_indirect_dma semaphore(%arg16 : memref<!tpu.dma_semaphore, #tpu.memory_space<semaphore_mem>>) src(%dma_wait3A_232 : memref<1000000x32xf32, #tpu.memory_space<hbm>>) dst(%arg10 : memref<128x32xf32, #tpu.memory_space<vmem>>)
      %add3A_233 = arith.constant 1 : i32
      %add3A_234 = arith.addi %add3A_226, %add3A_233 : i32
      %mul3A_235 = arith.constant 128 : i32
      %mul3A_236 = arith.muli %add3A_234, %mul3A_235 : i32
      %min3A_237 = arith.minsi %mul3A_236, %mul3A_108 : i32
      %add3A_238 = arith.addi %mul3A_27, %min3A_237 : i32
      %multiple_of3A_239 = tpu.assume_multiple %add3A_238, 8 : i32
      %dma_wait3A_240 = tpu.memref_slice %arg2[%multiple_of3A_239] : memref<819456xi32, #tpu.memory_space<hbm>> -> memref<128xi32, #tpu.memory_space<hbm>>
      %dma_wait3A_241 = tpu.memref_slice %arg2[%multiple_of3A_239] : memref<819456xi32, #tpu.memory_space<hbm>> -> memref<128xi32, #tpu.memory_space<hbm>>
      tpu.wait_dma2 semaphore(%arg13 : memref<!tpu.dma_semaphore, #tpu.memory_space<semaphore_mem>>) src(%dma_wait3A_241 : memref<128xi32, #tpu.memory_space<hbm>>) dst(%arg7 : memref<128xi32, #tpu.memory_space<vmem>>)
      %dma_start3A_242 = arith.constant 0 : i32
      %dma_start3A_243 = arith.constant 0 : i32
      %dma_start3A_244 = tpu.memref_slice %arg4[%dma_start3A_242, %dma_start3A_243] : memref<1000000x32xf32, #tpu.memory_space<hbm>> -> memref<1000000x32xf32, #tpu.memory_space<hbm>>
      tpu.enqueue_indirect_dma source(%dma_start3A_244 : memref<1000000x32xf32, #tpu.memory_space<hbm>>) target(%arg9 : memref<128x32xf32, #tpu.memory_space<vmem>>) offsets(%arg7 : memref<128xi32, #tpu.memory_space<vmem>>) semaphore(%arg15 : memref<!tpu.dma_semaphore, #tpu.memory_space<semaphore_mem>>)
      %add3A_245 = arith.constant 2 : i32
      %add3A_246 = arith.addi %add3A_226, %add3A_245 : i32
      %mul3A_247 = arith.constant 128 : i32
      %mul3A_248 = arith.muli %add3A_246, %mul3A_247 : i32
      %min3A_249 = arith.minsi %mul3A_248, %mul3A_108 : i32
      %add3A_250 = arith.addi %mul3A_27, %min3A_249 : i32
      %multiple_of3A_251 = tpu.assume_multiple %add3A_250, 8 : i32
      %dma_start3A_252 = tpu.memref_slice %arg2[%multiple_of3A_251] : memref<819456xi32, #tpu.memory_space<hbm>> -> memref<128xi32, #tpu.memory_space<hbm>>
      %dma_start3A_253 = tpu.memref_slice %arg2[%multiple_of3A_251] : memref<819456xi32, #tpu.memory_space<hbm>> -> memref<128xi32, #tpu.memory_space<hbm>>
      tpu.enqueue_dma source(%dma_start3A_253 : memref<128xi32, #tpu.memory_space<hbm>>) target(%arg8 : memref<128xi32, #tpu.memory_space<vmem>>) target_semaphore(%arg14 : memref<!tpu.dma_semaphore, #tpu.memory_space<semaphore_mem>>)
      %scan3A_254 = arith.constant 0 : i32
      %scan3A_255 = arith.constant 128 : i32
      %scan3A_256 = arith.addi %scan3A_254, %scan3A_255 : i32
      %scan3A_257 = arith.constant 1 : i32
      %scan3A_258:2 = scf.for %scan3A_283 = %scan3A_254 to %scan3A_256 step %scan3A_257 iter_args(%scan3A_284 = %scan3A_198#0, %scan3A_285 = %scan3A_198#1) -> (vector<16xf32>, vector<16xf32>)  : i32 {
        %get3A_286 = arith.index_cast %scan3A_283 : i32 to index
        %get3A_287 = arith.constant 0 : index
        %get3A_288 = tpu.vector_load %arg10[%get3A_286, %get3A_287] {strides = array<i32>} : memref<128x32xf32, #tpu.memory_space<vmem>>, vector<1x16xf32>,
        %get3A_289 = vector.shape_cast %get3A_288 : vector<1x16xf32> to vector<16xf32>
        %add3A_290 = arith.addf %scan3A_284, %get3A_289 : vector<16xf32>
        %get3A_291 = arith.index_cast %scan3A_283 : i32 to index
        %get3A_292 = arith.constant 16 : index
        %get3A_293 = tpu.vector_load %arg10[%get3A_291, %get3A_292] {strides = array<i32>} : memref<128x32xf32, #tpu.memory_space<vmem>>, vector<1x16xf32>,
        %get3A_294 = vector.shape_cast %get3A_293 : vector<1x16xf32> to vector<16xf32>
        %add3A_295 = arith.addf %scan3A_285, %get3A_294 : vector<16xf32>
        %add3A_296 = arith.constant 1 : i32
        %add3A_297 = arith.addi %scan3A_283, %add3A_296 : i32
        %mul3A_298 = arith.constant 32 : i32
        %mul3A_299 = arith.muli %add3A_297, %mul3A_298 : i32
        %swap3A = arith.index_cast %mul3A_299 : i32 to index
        %swap3A_300 = tpu.vector_load %arg11[%swap3A] {strides = array<i32>} : memref<4128xf32, #tpu.memory_space<vmem>>, vector<16xf32>,
        %swap3A_301 = vector.shape_cast %swap3A_300 : vector<16xf32> to vector<16xf32>
        %swap3A_302 = vector.shape_cast %add3A_290 : vector<16xf32> to vector<16xf32>
        tpu.vector_store %arg11[%swap3A], %swap3A_302 {strides = array<i32>} : memref<4128xf32, #tpu.memory_space<vmem>>, vector<16xf32>,
        %add3A_303 = arith.constant 1 : i32
        %add3A_304 = arith.addi %scan3A_283, %add3A_303 : i32
        %mul3A_305 = arith.constant 32 : i32
        %mul3A_306 = arith.muli %add3A_304, %mul3A_305 : i32
        %add3A_307 = arith.constant 16 : i32
        %add3A_308 = arith.addi %mul3A_306, %add3A_307 : i32
        %swap3A_309 = arith.index_cast %add3A_308 : i32 to index
        %swap3A_310 = tpu.vector_load %arg11[%swap3A_309] {strides = array<i32>} : memref<4128xf32, #tpu.memory_space<vmem>>, vector<16xf32>,
        %swap3A_311 = vector.shape_cast %swap3A_310 : vector<16xf32> to vector<16xf32>
        %swap3A_312 = vector.shape_cast %add3A_295 : vector<16xf32> to vector<16xf32>
        tpu.vector_store %arg11[%swap3A_309], %swap3A_312 {strides = array<i32>} : memref<4128xf32, #tpu.memory_space<vmem>>, vector<16xf32>,
        scf.yield %add3A_290, %add3A_295 : vector<16xf32>, vector<16xf32>
      }
      %scan3A_259 = arith.constant 128 : i32
      %add3A_260 = arith.constant 128 : i32
      %add3A_261 = arith.addi %add3A_229, %add3A_260 : i32
      %scan3A_262 = arith.constant 0 : i32
      %scan3A_263 = arith.constant 513 : i32
      %scan3A_264 = arith.constant 0 : i32
      %scan3A_265 = arith.constant 10 : i32
      %scan3A_266 = arith.addi %scan3A_264, %scan3A_265 : i32
      %scan3A_267 = arith.constant 1 : i32
      %scan3A_268:2 = scf.for %scan3A_283 = %scan3A_264 to %scan3A_266 step %scan3A_267 iter_args(%scan3A_284 = %scan3A_262, %scan3A_285 = %scan3A_263) -> (i32, i32)  : i32 {
        %add3A_286 = arith.addi %scan3A_284, %scan3A_285 : i32
        %jit3A_287 = arith.constant 2 : i32
        %div3A_288 = arith.divsi %add3A_286, %jit3A_287 : i32
        %sign3A_289 = arith.constant 0 : i32
        %sign3A_290 = arith.cmpi sgt, %add3A_286, %sign3A_289 : i32
        %sign3A_291 = arith.extui %sign3A_290 : i1 to i32
        %sign3A_292 = arith.constant 0 : i32
        %sign3A_293 = arith.cmpi slt, %add3A_286, %sign3A_292 : i32
        %sign3A_294 = arith.extui %sign3A_293 : i1 to i32
        %sign3A_295 = arith.subi %sign3A_291, %sign3A_294 : i32
        %sign3A_296 = arith.constant 0 : i32
        %sign3A_297 = arith.cmpi sgt, %jit3A_287, %sign3A_296 : i32
        %sign3A_298 = arith.extui %sign3A_297 : i1 to i32
        %sign3A_299 = arith.constant 0 : i32
        %sign3A_300 = arith.cmpi slt, %jit3A_287, %sign3A_299 : i32
        %sign3A_301 = arith.extui %sign3A_300 : i1 to i32
        %sign3A_302 = arith.subi %sign3A_298, %sign3A_301 : i32
        %ne3A_303 = arith.cmpi ne, %sign3A_295, %sign3A_302 : i32
        %rem3A_304 = arith.remsi %add3A_286, %jit3A_287 : i32
        %ne3A_305 = arith.constant 0 : i32
        %ne3A_306 = arith.cmpi ne, %rem3A_304, %ne3A_305 : i32
        %and3A_307 = arith.andi %ne3A_303, %ne3A_306 : i1
        %sub3A_308 = arith.constant 1 : i32
        %sub3A_309 = arith.subi %div3A_288, %sub3A_308 : i32
        %select_n3A_310 = arith.select %and3A_307, %sub3A_309, %div3A_288 : i32
        %get3A_311 = arith.index_cast %select_n3A_310 : i32 to index
        %get3A_312 = tpu.vector_load %arg6[%get3A_311] {strides = array<i32>} : memref<544xi32, #tpu.memory_space<vmem>>, vector<16xi32>,
        %get3A_313 = vector.shape_cast %get3A_312 : vector<16xi32> to vector<16xi32>
        %slice3A_314 = vector.extract_strided_slice %get3A_313 {offsets = [0], sizes = [1], strides = [1]} : vector<16xi32> to vector<1xi32>
        %squeeze3A_315 = vector.extract %slice3A_314[0] : i32 from vector<1xi32>
        %le3A = arith.cmpi sle, %squeeze3A_315, %add3A_261 : i32
        %add3A_316 = arith.constant 1 : i32
        %add3A_317 = arith.addi %select_n3A_310, %add3A_316 : i32
        %select_n3A_318 = arith.select %le3A, %add3A_317, %scan3A_284 : i32
        %select_n3A_319 = arith.select %le3A, %scan3A_285, %select_n3A_310 : i32
        scf.yield %select_n3A_318, %select_n3A_319 : i32, i32
      }
      %scan3A_269 = arith.constant 10 : i32
      %sub3A_270 = arith.subi %scan3A_268#0, %scan3A_208#0 : i32
      %while3A_271 = arith.constant 0 : i32
      %while3A_272 = arith.constant 0 : i32
      %while3A_273 = arith.subi %sub3A_270, %while3A_271 : i32
      %while3A_274 = arith.addi %while3A_271, %while3A_273 : i32
      %while3A_275 = arith.constant 1 : i32
      %while3A_276 = arith.divsi %while3A_273, %while3A_275 : i32
      %while3A_277 = arith.muli %while3A_276, %while3A_275 : i32
      %while3A_278 = arith.addi %while3A_271, %while3A_277 : i32
      %while3A_279 = arith.constant 1 : i32
      %while3A_280 = scf.for %while3A_283 = %while3A_271 to %while3A_278 step %while3A_279 iter_args(%while3A_284 = %while3A_272) -> (i32)  : i32 {
        %add3A_285 = arith.addi %scan3A_208#0, %while3A_283 : i32
        %get3A_286 = arith.index_cast %add3A_285 : i32 to index
        %get3A_287 = tpu.vector_load %arg6[%get3A_286] {strides = array<i32>} : memref<544xi32, #tpu.memory_space<vmem>>, vector<16xi32>,
        %get3A_288 = vector.shape_cast %get3A_287 : vector<16xi32> to vector<16xi32>
        %slice3A_289 = vector.extract_strided_slice %get3A_288 {offsets = [0], sizes = [1], strides = [1]} : vector<16xi32> to vector<1xi32>
        %squeeze3A_290 = vector.extract %slice3A_289[0] : i32 from vector<1xi32>
        %sub3A_291 = arith.subi %squeeze3A_290, %add3A_229 : i32
        %mul3A_292 = arith.constant 32 : i32
        %mul3A_293 = arith.muli %sub3A_291, %mul3A_292 : i32
        %get3A_294 = arith.index_cast %mul3A_293 : i32 to index
        %get3A_295 = tpu.vector_load %arg11[%get3A_294] {strides = array<i32>} : memref<4128xf32, #tpu.memory_space<vmem>>, vector<16xf32>,
        %get3A_296 = vector.shape_cast %get3A_295 : vector<16xf32> to vector<16xf32>
        %mul3A_297 = arith.constant 32 : i32
        %mul3A_298 = arith.muli %add3A_285, %mul3A_297 : i32
        %swap3A = arith.index_cast %mul3A_298 : i32 to index
        %swap3A_299 = tpu.vector_load %arg12[%swap3A] {strides = array<i32>} : memref<16416xf32, #tpu.memory_space<vmem>>, vector<16xf32>,
        %swap3A_300 = vector.shape_cast %swap3A_299 : vector<16xf32> to vector<16xf32>
        %swap3A_301 = vector.shape_cast %get3A_296 : vector<16xf32> to vector<16xf32>
        tpu.vector_store %arg12[%swap3A], %swap3A_301 {strides = array<i32>} : memref<16416xf32, #tpu.memory_space<vmem>>, vector<16xf32>,
        %mul3A_302 = arith.constant 32 : i32
        %mul3A_303 = arith.muli %sub3A_291, %mul3A_302 : i32
        %add3A_304 = arith.constant 16 : i32
        %add3A_305 = arith.addi %mul3A_303, %add3A_304 : i32
        %get3A_306 = arith.index_cast %add3A_305 : i32 to index
        %get3A_307 = tpu.vector_load %arg11[%get3A_306] {strides = array<i32>} : memref<4128xf32, #tpu.memory_space<vmem>>, vector<16xf32>,
        %get3A_308 = vector.shape_cast %get3A_307 : vector<16xf32> to vector<16xf32>
        %mul3A_309 = arith.constant 32 : i32
        %mul3A_310 = arith.muli %add3A_285, %mul3A_309 : i32
        %add3A_311 = arith.constant 16 : i32
        %add3A_312 = arith.addi %mul3A_310, %add3A_311 : i32
        %swap3A_313 = arith.index_cast %add3A_312 : i32 to index
        %swap3A_314 = tpu.vector_load %arg12[%swap3A_313] {strides = array<i32>} : memref<16416xf32, #tpu.memory_space<vmem>>, vector<16xf32>,
        %swap3A_315 = vector.shape_cast %swap3A_314 : vector<16xf32> to vector<16xf32>
        %swap3A_316 = vector.shape_cast %get3A_308 : vector<16xf32> to vector<16xf32>
        tpu.vector_store %arg12[%swap3A_313], %swap3A_316 {strides = array<i32>} : memref<16416xf32, #tpu.memory_space<vmem>>, vector<16xf32>,
        %while3A_317 = arith.constant 0 : i32
        scf.yield %while3A_317 : i32
      }
      %while3A_281 = arith.constant 1 : i32
      %while3A_282 = scf.for %while3A_283 = %while3A_278 to %while3A_274 step %while3A_281 iter_args(%while3A_284 = %while3A_280) -> (i32)  : i32 {
        %add3A_285 = arith.addi %scan3A_208#0, %while3A_283 : i32
        %get3A_286 = arith.index_cast %add3A_285 : i32 to index
        %get3A_287 = tpu.vector_load %arg6[%get3A_286] {strides = array<i32>} : memref<544xi32, #tpu.memory_space<vmem>>, vector<16xi32>,
        %get3A_288 = vector.shape_cast %get3A_287 : vector<16xi32> to vector<16xi32>
        %slice3A_289 = vector.extract_strided_slice %get3A_288 {offsets = [0], sizes = [1], strides = [1]} : vector<16xi32> to vector<1xi32>
        %squeeze3A_290 = vector.extract %slice3A_289[0] : i32 from vector<1xi32>
        %sub3A_291 = arith.subi %squeeze3A_290, %add3A_229 : i32
        %mul3A_292 = arith.constant 32 : i32
        %mul3A_293 = arith.muli %sub3A_291, %mul3A_292 : i32
        %get3A_294 = arith.index_cast %mul3A_293 : i32 to index
        %get3A_295 = tpu.vector_load %arg11[%get3A_294] {strides = array<i32>} : memref<4128xf32, #tpu.memory_space<vmem>>, vector<16xf32>,
        %get3A_296 = vector.shape_cast %get3A_295 : vector<16xf32> to vector<16xf32>
        %mul3A_297 = arith.constant 32 : i32
        %mul3A_298 = arith.muli %add3A_285, %mul3A_297 : i32
        %swap3A = arith.index_cast %mul3A_298 : i32 to index
        %swap3A_299 = tpu.vector_load %arg12[%swap3A] {strides = array<i32>} : memref<16416xf32, #tpu.memory_space<vmem>>, vector<16xf32>,
        %swap3A_300 = vector.shape_cast %swap3A_299 : vector<16xf32> to vector<16xf32>
        %swap3A_301 = vector.shape_cast %get3A_296 : vector<16xf32> to vector<16xf32>
        tpu.vector_store %arg12[%swap3A], %swap3A_301 {strides = array<i32>} : memref<16416xf32, #tpu.memory_space<vmem>>, vector<16xf32>,
        %mul3A_302 = arith.constant 32 : i32
        %mul3A_303 = arith.muli %sub3A_291, %mul3A_302 : i32
        %add3A_304 = arith.constant 16 : i32
        %add3A_305 = arith.addi %mul3A_303, %add3A_304 : i32
        %get3A_306 = arith.index_cast %add3A_305 : i32 to index
        %get3A_307 = tpu.vector_load %arg11[%get3A_306] {strides = array<i32>} : memref<4128xf32, #tpu.memory_space<vmem>>, vector<16xf32>,
        %get3A_308 = vector.shape_cast %get3A_307 : vector<16xf32> to vector<16xf32>
        %mul3A_309 = arith.constant 32 : i32
        %mul3A_310 = arith.muli %add3A_285, %mul3A_309 : i32
        %add3A_311 = arith.constant 16 : i32
        %add3A_312 = arith.addi %mul3A_310, %add3A_311 : i32
        %swap3A_313 = arith.index_cast %add3A_312 : i32 to index
        %swap3A_314 = tpu.vector_load %arg12[%swap3A_313] {strides = array<i32>} : memref<16416xf32, #tpu.memory_space<vmem>>, vector<16xf32>,
        %swap3A_315 = vector.shape_cast %swap3A_314 : vector<16xf32> to vector<16xf32>
        %swap3A_316 = vector.shape_cast %get3A_308 : vector<16xf32> to vector<16xf32>
        tpu.vector_store %arg12[%swap3A_313], %swap3A_316 {strides = array<i32>} : memref<16416xf32, #tpu.memory_space<vmem>>, vector<16xf32>,
        %while3A_317 = arith.constant 0 : i32
        scf.yield %while3A_317 : i32
      }
      scf.yield %scan3A_268#0, %scan3A_258#0, %scan3A_258#1 : i32, vector<16xf32>, vector<16xf32>
    }
    %dma_wait3A_134 = arith.constant 0 : i32
    %dma_wait3A_135 = arith.constant 0 : i32
    %dma_wait3A_136 = tpu.memref_slice %arg4[%dma_wait3A_134, %dma_wait3A_135] : memref<1000000x32xf32, #tpu.memory_space<hbm>> -> memref<1000000x32xf32, #tpu.memory_space<hbm>>
    tpu.wait_indirect_dma semaphore(%arg15 : memref<!tpu.dma_semaphore, #tpu.memory_space<semaphore_mem>>) src(%dma_wait3A_136 : memref<1000000x32xf32, #tpu.memory_space<hbm>>) dst(%arg9 : memref<128x32xf32, #tpu.memory_space<vmem>>)
    %add3A_137 = arith.constant 1 : i32
    %add3A_138 = arith.addi %mul3A_104, %add3A_137 : i32
    %mul3A_139 = arith.constant 128 : i32
    %mul3A_140 = arith.muli %add3A_138, %mul3A_139 : i32
    %min3A_141 = arith.minsi %mul3A_140, %mul3A_108 : i32
    %add3A_142 = arith.addi %mul3A_27, %min3A_141 : i32
    %multiple_of3A_143 = tpu.assume_multiple %add3A_142, 8 : i32
    %dma_wait3A_144 = tpu.memref_slice %arg2[%multiple_of3A_143] : memref<819456xi32, #tpu.memory_space<hbm>> -> memref<128xi32, #tpu.memory_space<hbm>>
    %dma_wait3A_145 = tpu.memref_slice %arg2[%multiple_of3A_143] : memref<819456xi32, #tpu.memory_space<hbm>> -> memref<128xi32, #tpu.memory_space<hbm>>
    tpu.wait_dma2 semaphore(%arg14 : memref<!tpu.dma_semaphore, #tpu.memory_space<semaphore_mem>>) src(%dma_wait3A_145 : memref<128xi32, #tpu.memory_space<hbm>>) dst(%arg8 : memref<128xi32, #tpu.memory_space<vmem>>)
    %get3A_146 = arith.constant 0 : index
    %get3A_147 = tpu.vector_load %arg12[%get3A_146] {strides = array<i32>} : memref<16416xf32, #tpu.memory_space<vmem>>, vector<16xf32>,
    %get3A_148 = vector.shape_cast %get3A_147 : vector<16xf32> to vector<16xf32>
    %get3A_149 = arith.constant 16 : index
    %get3A_150 = tpu.vector_load %arg12[%get3A_149] {strides = array<i32>} : memref<16416xf32, #tpu.memory_space<vmem>>, vector<16xf32>,
    %get3A_151 = vector.shape_cast %get3A_150 : vector<16xf32> to vector<16xf32>
    %scan3A_152 = arith.constant 0 : i32
    %scan3A_153 = arith.constant 512 : i32
    %scan3A_154 = arith.addi %scan3A_152, %scan3A_153 : i32
    %scan3A_155 = arith.constant 1 : i32
    %scan3A_156:3 = scf.for %scan3A_161 = %scan3A_152 to %scan3A_154 step %scan3A_155 iter_args(%scan3A_162 = %get3A_148, %scan3A_163 = %get3A_151, %scan3A_164 = %squeeze3A) -> (vector<16xf32>, vector<16xf32>, i32)  : i32 {
      %add3A_165 = arith.constant 1 : i32
      %add3A_166 = arith.addi %scan3A_161, %add3A_165 : i32
      %get3A_167 = arith.index_cast %add3A_166 : i32 to index
      %get3A_168 = tpu.vector_load %arg6[%get3A_167] {strides = array<i32>} : memref<544xi32, #tpu.memory_space<vmem>>, vector<16xi32>,
      %get3A_169 = vector.shape_cast %get3A_168 : vector<16xi32> to vector<16xi32>
      %slice3A_170 = vector.extract_strided_slice %get3A_169 {offsets = [0], sizes = [1], strides = [1]} : vector<16xi32> to vector<1xi32>
      %squeeze3A_171 = vector.extract %slice3A_170[0] : i32 from vector<1xi32>
      %sub3A_172 = arith.subi %squeeze3A_171, %scan3A_164 : i32
      %convert_element_type3A = arith.sitofp %sub3A_172 : i32 to f32
      %max3A_173 = arith.constant 1.000000e+00 : f32
      %max3A_174 = arith.maximumf %convert_element_type3A, %max3A_173 : f32
      %broadcast_in_dim3A_175 = vector.broadcast %max3A_174 : f32 to vector<16xf32>
      %div3A_176 = arith.constant 1.000000e+00 : f32
      %div3A_177 = vector.broadcast %div3A_176 : f32 to vector<16xf32>
      %div3A_178 = arith.divf %div3A_177, %broadcast_in_dim3A_175 : vector<16xf32>
      %add3A_179 = arith.constant 1 : i32
      %add3A_180 = arith.addi %scan3A_161, %add3A_179 : i32
      %mul3A_181 = arith.constant 32 : i32
      %mul3A_182 = arith.muli %add3A_180, %mul3A_181 : i32
      %get3A_183 = arith.index_cast %mul3A_182 : i32 to index
      %get3A_184 = tpu.vector_load %arg12[%get3A_183] {strides = array<i32>} : memref<16416xf32, #tpu.memory_space<vmem>>, vector<16xf32>,
      %get3A_185 = vector.shape_cast %get3A_184 : vector<16xf32> to vector<16xf32>
      %add3A_186 = arith.constant 1 : i32
      %add3A_187 = arith.addi %scan3A_161, %add3A_186 : i32
      %mul3A_188 = arith.constant 32 : i32
      %mul3A_189 = arith.muli %add3A_187, %mul3A_188 : i32
      %add3A_190 = arith.constant 16 : i32
      %add3A_191 = arith.addi %mul3A_189, %add3A_190 : i32
      %get3A_192 = arith.index_cast %add3A_191 : i32 to index
      %get3A_193 = tpu.vector_load %arg12[%get3A_192] {strides = array<i32>} : memref<16416xf32, #tpu.memory_space<vmem>>, vector<16xf32>,
      %get3A_194 = vector.shape_cast %get3A_193 : vector<16xf32> to vector<16xf32>
      %sub3A_195 = arith.subf %get3A_185, %scan3A_162 : vector<16xf32>
      %mul3A_196 = arith.mulf %sub3A_195, %div3A_178 : vector<16xf32>
      %mul3A_197 = arith.constant 32 : i32
      %mul3A_198 = arith.muli %scan3A_161, %mul3A_197 : i32
      %swap3A = arith.index_cast %mul3A_198 : i32 to index
      %swap3A_199 = tpu.vector_load %arg12[%swap3A] {strides = array<i32>} : memref<16416xf32, #tpu.memory_space<vmem>>, vector<16xf32>,
      %swap3A_200 = vector.shape_cast %swap3A_199 : vector<16xf32> to vector<16xf32>
      %swap3A_201 = vector.shape_cast %mul3A_196 : vector<16xf32> to vector<16xf32>
      tpu.vector_store %arg12[%swap3A], %swap3A_201 {strides = array<i32>} : memref<16416xf32, #tpu.memory_space<vmem>>, vector<16xf32>,
      %sub3A_202 = arith.subf %get3A_194, %scan3A_163 : vector<16xf32>
      %mul3A_203 = arith.mulf %sub3A_202, %div3A_178 : vector<16xf32>
      %mul3A_204 = arith.constant 32 : i32
      %mul3A_205 = arith.muli %scan3A_161, %mul3A_204 : i32
      %add3A_206 = arith.constant 16 : i32
      %add3A_207 = arith.addi %mul3A_205, %add3A_206 : i32
      %swap3A_208 = arith.index_cast %add3A_207 : i32 to index
      %swap3A_209 = tpu.vector_load %arg12[%swap3A_208] {strides = array<i32>} : memref<16416xf32, #tpu.memory_space<vmem>>, vector<16xf32>,
      %swap3A_210 = vector.shape_cast %swap3A_209 : vector<16xf32> to vector<16xf32>
      %swap3A_211 = vector.shape_cast %mul3A_203 : vector<16xf32> to vector<16xf32>
      tpu.vector_store %arg12[%swap3A_208], %swap3A_211 {strides = array<i32>} : memref<16416xf32, #tpu.memory_space<vmem>>, vector<16xf32>,
      scf.yield %get3A_185, %get3A_194, %squeeze3A_171 : vector<16xf32>, vector<16xf32>, i32
    }
    %scan3A_157 = arith.constant 512 : i32
    %mul3A_158 = arith.constant 32 : i32
    %mul3A_159 = arith.muli %multiple_of3A, %mul3A_158 : i32
    %multiple_of3A_160 = tpu.assume_multiple %mul3A_159, 8 : i32
    "tpu.region"() ({
      %run_scoped3A = tpu.sem_alloc : memref<!tpu.dma_semaphore, #tpu.memory_space<semaphore_mem>>
      %dma_start3A_161 = arith.constant 0 : i32
      %dma_start3A_162 = tpu.memref_slice %arg12[%dma_start3A_161] : memref<16416xf32, #tpu.memory_space<vmem>> -> memref<16384xf32, #tpu.memory_space<vmem>>
      %dma_start3A_163 = tpu.memref_slice %arg5[%multiple_of3A_160] : memref<524288xf32, #tpu.memory_space<hbm>> -> memref<16384xf32, #tpu.memory_space<hbm>>
      %dma_start3A_164 = tpu.memref_slice %arg5[%multiple_of3A_160] : memref<524288xf32, #tpu.memory_space<hbm>> -> memref<16384xf32, #tpu.memory_space<hbm>>
      %dma_start3A_165 = arith.constant 0 : i32
      %dma_start3A_166 = tpu.memref_slice %arg12[%dma_start3A_165] : memref<16416xf32, #tpu.memory_space<vmem>> -> memref<16384xf32, #tpu.memory_space<vmem>>
      tpu.enqueue_dma source(%dma_start3A_166 : memref<16384xf32, #tpu.memory_space<vmem>>) target(%dma_start3A_164 : memref<16384xf32, #tpu.memory_space<hbm>>) target_semaphore(%run_scoped3A : memref<!tpu.dma_semaphore, #tpu.memory_space<semaphore_mem>>)
      %dma_wait3A_167 = arith.constant 0 : i32
      %dma_wait3A_168 = tpu.memref_slice %arg12[%dma_wait3A_167] : memref<16416xf32, #tpu.memory_space<vmem>> -> memref<16384xf32, #tpu.memory_space<vmem>>
      %dma_wait3A_169 = tpu.memref_slice %arg5[%multiple_of3A_160] : memref<524288xf32, #tpu.memory_space<hbm>> -> memref<16384xf32, #tpu.memory_space<hbm>>
      %dma_wait3A_170 = tpu.memref_slice %arg5[%multiple_of3A_160] : memref<524288xf32, #tpu.memory_space<hbm>> -> memref<16384xf32, #tpu.memory_space<hbm>>
      %dma_wait3A_171 = arith.constant 0 : i32
      %dma_wait3A_172 = tpu.memref_slice %arg12[%dma_wait3A_171] : memref<16416xf32, #tpu.memory_space<vmem>> -> memref<16384xf32, #tpu.memory_space<vmem>>
      tpu.wait_dma2 semaphore(%run_scoped3A : memref<!tpu.dma_semaphore, #tpu.memory_space<semaphore_mem>>) src(%dma_wait3A_172 : memref<16384xf32, #tpu.memory_space<vmem>>) dst(%dma_wait3A_170 : memref<16384xf32, #tpu.memory_space<hbm>>)
      tpu.yield
    }) : () -> ()
    return
  }
}

module attributes {stable_mosaic.version = 14 : i64} {
  func.func @body(%arg0: i32, %arg1: memref<32x8192xf32, #tpu.memory_space<vmem>>, %arg2: memref<2048x128xf32, #tpu.memory_space<vmem>>) attributes {dimension_semantics = [#tpu.dimension_semantics<arbitrary>], iteration_bounds = array<i64: 123>, scalar_prefetch = 0 : i64, scratch_operands = 0 : i64, tpu.core_type = #tpu.core_type<tc>, window_params = [{transform_indices = @transform_0, window_bounds = array<i64: 32, 8192>}, {transform_indices = @transform_1, window_bounds = array<i64: 2048, 128>}]} {
    %get3A = arith.constant 0 : index
    %get3A_0 = arith.constant 0 : index
    %get3A_1 = vector.load %arg1[%get3A, %get3A_0] : memref<32x8192xf32, #tpu.memory_space<vmem>>, vector<32x8192xf32>
    %transpose3A = tpu.transpose %get3A_1, [1, 0] : vector<32x8192xf32> -> vector<8192x32xf32>
    %reshape3A = vector.shape_cast %transpose3A : vector<8192x32xf32> to vector<2048x4x32xf32>
    %slice3A = vector.extract_strided_slice %reshape3A {offsets = [0, 0, 0], sizes = [2048, 1, 32], strides = [1, 1, 1]} : vector<2048x4x32xf32> to vector<2048x1x32xf32>
    %squeeze3A = vector.shape_cast %slice3A : vector<2048x1x32xf32> to vector<2048x32xf32>
    %slice3A_2 = vector.extract_strided_slice %reshape3A {offsets = [0, 1, 0], sizes = [2048, 1, 32], strides = [1, 1, 1]} : vector<2048x4x32xf32> to vector<2048x1x32xf32>
    %squeeze3A_3 = vector.shape_cast %slice3A_2 : vector<2048x1x32xf32> to vector<2048x32xf32>
    %slice3A_4 = vector.extract_strided_slice %reshape3A {offsets = [0, 2, 0], sizes = [2048, 1, 32], strides = [1, 1, 1]} : vector<2048x4x32xf32> to vector<2048x1x32xf32>
    %squeeze3A_5 = vector.shape_cast %slice3A_4 : vector<2048x1x32xf32> to vector<2048x32xf32>
    %slice3A_6 = vector.extract_strided_slice %reshape3A {offsets = [0, 3, 0], sizes = [2048, 1, 32], strides = [1, 1, 1]} : vector<2048x4x32xf32> to vector<2048x1x32xf32>
    %squeeze3A_7 = vector.shape_cast %slice3A_6 : vector<2048x1x32xf32> to vector<2048x32xf32>
    %concatenate3A = tpu.concatenate %squeeze3A, %squeeze3A_3, %squeeze3A_5, %squeeze3A_7 in 1 : vector<2048x32xf32>, vector<2048x32xf32>, vector<2048x32xf32>, vector<2048x32xf32> -> vector<2048x128xf32>
    %swap3A = arith.constant 0 : index
    %swap3A_8 = arith.constant 0 : index
    %swap3A_9 = vector.load %arg2[%swap3A, %swap3A_8] : memref<2048x128xf32, #tpu.memory_space<vmem>>, vector<2048x128xf32>
    tpu.vector_store %arg2[%swap3A, %swap3A_8], %concatenate3A {strides = array<i32>} : memref<2048x128xf32, #tpu.memory_space<vmem>>, vector<2048x128xf32>,
    return
  }
  func.func @transform_0(%arg0: i32) -> (i32, i32) {
    %c0_i32 = arith.constant 0 : i32
    %c0_i32_0 = arith.constant 0 : i32
    return %c0_i32, %arg0 : i32, i32
  }
  func.func @transform_1(%arg0: i32) -> (i32, i32) {
    %c0_i32 = arith.constant 0 : i32
    %c0_i32_0 = arith.constant 0 : i32
    return %arg0, %c0_i32 : i32, i32
  }
}

</mosaic_0001>

<sc_bundles>
// kernel: kernel.4.cloned.1.call-start
scs
__scs_entry_jumppad:
0x0: {  	(pc) =	sbr.rel $0x88, $3  }
0x1: {  	(tag) =	ssettag $0x0;
	lr =	simm.s32 $0x1  }
0x2: {  	[smem:$0x3F9E] =	sst lr;
	_ =	strace $0xD0000000  }
0x3: {  	_ = 	snop  }
0x4: {  	_ = 	snop  }
0x5: {  	_ = 	snop  }
0x6: {  	_ = 	snop  }
0x7: {  	_ = 	snop  }
__scs_overlays_trampoline_lowered:
0x8: {  	[smem:$0x3FAD] =	sst s0  }
0x9: {  	[smem:$0x3FAE] =	sst s1  }
0xa: {  	[smem:$0x3FAF] =	sst s2  }
0xb: {  	[smem:$0x3FB0] =	sst s3  }
0xc: {  	[smem:$0x3FB1] =	sst s4  }
0xd: {  	[smem:$0x3FB2] =	sst s5  }
0xe: {  	[smem:$0x3FB3] =	sst s6  }
0xf: {  	[smem:$0x3FB4] =	sst s7  }
0x10: {  	[smem:$0x3FB5] =	sst s8  }
0x11: {  	[smem:$0x3FB6] =	sst s9;
	s0 =	simm.s32 @!p0 $0x0  }
0x12: {  	s1 =	sld [smem:$0x3F9C];
	s0 =	simm.s32 @p0 $0x1  }
0x13: {  	[smem:$0x3FB7] =	sst s0;
	s0 =	simm.s32 @!p1 $0x0  }
0x14: {  	s2 =	sld [smem:$0x3F9B];
	s0 =	simm.s32 @p1 $0x1  }
0x15: {  	[smem:$0x3FB8] =	sst s0;
	s0 =	simm.s32 @!p2 $0x0  }
0x16: {  	s3 =	sld [smem:$0x3FDB];
	s0 =	simm.s32 @p2 $0x1  }
0x17: {  	s4 =	simm.s32 $0x1BF5;
	[smem:$0x3FBA] =	sst s0  }
0x18: {  	s0 =	sld [smem:$0x3F9D];
	_ =	swait.ge [sflag:s4], $0x0  }
0x19: {  	s7 =	sld [smem:$0x3F9E]  }
0x1a: {  	s8 =	sadd.s32 $0xFFFFE003, lr  }
0x1b: {  	s9 =	sadd.s32 $0xFFFFFEF7, lr;
	s5 =	simm.s32 $0xFFFFFFFF;
	p2 =	slt.u32 s8, $0xFFFFF086  }
0x1c: {  	p1 =	slt.u32 s9, $0xF7A;
	s5 =	simm.s32 @!p2 $0x0  }
0x1d: {  	s5 =	simm.s32 @p1 $0x1;
	p0 =	seq.s32 s7, s2  }
0x1e: {  	s7 =	smul.u32 @!p0 $0xF7A, s2;
	p2 =	seq.s32 @!p0 s5, $0x0  }
0x1f: {  	s9 =	smul.u32 $0xF7A, s1;
	s8 =	simm.s32 @!p0 $0x1BF5;
	p2 =	por !p2, p0  }
0x20: {  	[sflag:s8] =	ssyncset.s32 @!p0 $0xFFFFF086;
	s6 =	sadd.s32 @!p0 s3, s7;
	s7 =	simm.s32 @!p0 $0x108  }
0x21: {  	s3 =	sadd.s32 s3, s9;
	s6 =	sadd.s32 @!p0 $0x88, s6;
	s7 =	simm.s32 @p2 $0x1082  }
0x22: {  	[simem:s7], [sflag:s8] =	dma.local @!p0 [hbm:s6], $0xF7A  }
0x23: {  	s9 =	sor.u32 $0xD0000000, s2;
	s6 =	simm.s32 $0x108;
	_ =	swait.ge @!p0 [sflag:s8], $0x0  }
0x24: {  	s3 =	sadd.s32 $0x88, s3;
	s6 =	simm.s32 @!p1 $0x1082;
	[sflag:s4] =	ssyncset.s32 $0xFFFFF086  }
0x25: {  	[simem:s6], [sflag:s4] =	dma.local [hbm:s3], $0xF7A  }
0x26: {  	[smem:$0x3F9E] =	sst s1;
	(tag) =	ssettag s2;
	_ =	strace s9  }
0x27: {  	s1 =	sld [smem:$0x3FAE]  }
0x28: {  	s2 =	sld [smem:$0x3FAF]  }
0x29: {  	s4 =	sld [smem:$0x3FB1]  }
0x2a: {  	p0 =	seq.s32 s5, $0x0;
	s5 =	sld [smem:$0x3FB2]  }
0x2b: {  	s6 =	sld [smem:$0x3FB3]  }
0x2c: {  	s7 =	sld [smem:$0x3FB4]  }
0x2d: {  	s3 =	simm.s32 $0x108;
	s8 =	sld [smem:$0x3FB5]  }
0x2e: {  	s3 =	simm.s32 @!p0 $0x1082;
	s9 =	sld [smem:$0x3FB6]  }
0x2f: {  	lr =	sadd.s32 s0, s3;
	s0 =	sld [smem:$0x3FAD]  }
0x30: {  	s3 =	sld [smem:$0x3FB0]  }
0x31: {  	[smem:$0x3FB9] =	sst s10  }
0x32: {  	s10 =	sld [smem:$0x3FB7];
	_ =	sdelay $0x3  }
0x33: {  	p0 =	seq.s32 s10, $0x1;
	s10 =	sld [smem:$0x3FB9];
	_ =	sdelay $0x3  }
0x34: {  	[smem:$0x3FB9] =	sst s10  }
0x35: {  	s10 =	sld [smem:$0x3FB8];
	_ =	sdelay $0x3  }
0x36: {  	p1 =	seq.s32 s10, $0x1;
	s10 =	sld [smem:$0x3FB9];
	_ =	sdelay $0x3  }
0x37: {  	[smem:$0x3FB9] =	sst s10  }
0x38: {  	s10 =	sld [smem:$0x3FBA]  }
0x39: {  	_ = 	snop;
	(pc) =	sbr.ind lr, $3  }
0x3a: {  	_ = 	snop  }
0x3b: {  	_ = 	snop  }
0x3c: {  	p2 =	seq.s32 s10, $0x1;
	s10 =	sld [smem:$0x3FB9]  }
0x3d: {  	_ =	shalt  }
0x3e: {  	_ =	shalt  }
0x3f: {  	_ =	shalt  }
0x40: {  	_ =	shalt  }
0x41: {  	_ =	shalt  }
0x42: {  	_ =	shalt  }
0x43: {  	_ =	shalt  }
0x44: {  	_ =	shalt  }
0x45: {  	_ =	shalt  }
0x46: {  	_ =	shalt  }
0x47: {  	_ =	shalt  }
0x48: {  	_ =	shalt  }
0x49: {  	_ =	shalt  }
0x4a: {  	_ =	shalt  }
0x4b: {  	_ =	shalt  }
0x4c: {  	_ =	shalt  }
0x4d: {  	_ =	shalt  }
0x4e: {  	_ =	shalt  }
0x4f: {  	_ =	shalt  }
0x50: {  	_ =	shalt  }
0x51: {  	_ =	shalt  }
0x52: {  	_ =	shalt  }
0x53: {  	_ =	shalt  }
0x54: {  	_ =	shalt  }
0x55: {  	_ =	shalt  }
0x56: {  	_ =	shalt  }
0x57: {  	_ =	shalt  }
0x58: {  	_ =	shalt  }
0x59: {  	_ =	shalt  }
0x5a: {  	_ =	shalt  }
0x5b: {  	_ =	shalt  }
0x5c: {  	_ =	shalt  }
0x5d: {  	_ =	shalt  }
0x5e: {  	_ =	shalt  }
0x5f: {  	_ =	shalt  }
0x60: {  	_ =	shalt  }
0x61: {  	_ =	shalt  }
0x62: {  	_ =	shalt  }
0x63: {  	_ =	shalt  }
0x64: {  	_ =	shalt  }
0x65: {  	_ =	shalt  }
0x66: {  	_ =	shalt  }
0x67: {  	_ =	shalt  }
0x68: {  	_ =	shalt  }
0x69: {  	_ =	shalt  }
0x6a: {  	_ =	shalt  }
0x6b: {  	_ =	shalt  }
0x6c: {  	_ =	shalt  }
0x6d: {  	_ =	shalt  }
0x6e: {  	_ =	shalt  }
0x6f: {  	_ =	shalt  }
0x70: {  	_ =	shalt  }
0x71: {  	_ =	shalt  }
0x72: {  	_ =	shalt  }
0x73: {  	_ =	shalt  }
0x74: {  	_ =	shalt  }
0x75: {  	_ =	shalt  }
0x76: {  	_ =	shalt  }
0x77: {  	_ =	shalt  }
0x78: {  	_ =	shalt  }
0x79: {  	_ =	shalt  }
0x7a: {  	_ =	shalt  }
0x7b: {  	_ =	shalt  }
0x7c: {  	_ =	shalt  }
0x7d: {  	_ =	shalt  }
0x7e: {  	_ =	shalt  }
0x7f: {  	_ =	shalt  }
0x80: {  	_ =	shalt  }
0x81: {  	_ =	shalt  }
0x82: {  	_ =	shalt  }
0x83: {  	_ =	shalt  }
0x84: {  	_ =	shalt  }
0x85: {  	_ =	shalt  }
0x86: {  	_ =	shalt  }
0x87: {  	_ =	shalt  }
.Lfunc_end0:
.L_simem_size_0:
called_computation_lowered:
.L_overlay_start_0:
0x88: {  	s2 =	sld [smem:$0x3FD9]  }
0x89: {  	s3 =	sld [smem:$0x3FFE];
	_ =	sdelay $0x1  }
0x8a: {  	s1 =	srdreg.scid  }
0x8b: {  	s0 =	sand.u32 $0x1, s1  }
0x8c: {  	s17 =	sshll.u32 s0, $0xA;
	s2 =	sadd.s32 s3, s2  }
0x8d: {  	s2 =	sadd.s32 s2, s17  }
0x8e: {  	[smem:$0x3FC5] =	sst s2  }
0x8f: {  	_ = 	snop  }
0x90: {  	s2 =	sld [smem:$0x3FD0];
	(tm) =	ssettm $0x1  }
0x91: {  	s18 =	sld [smem:$0x3FFB];
	_ =	sdelay $0x3  }
0x92: {  	_ =	strace s18  }
0x93: {  	s3 =	sld [smem:$0x3FFC];
	_ =	sdelay $0x3  }
0x94: {  	_ =	strace s3  }
0x95: {  	s3 =	sld [smem:$0x3FFD];
	_ =	sdelay $0x3  }
0x96: {  	_ =	strace s3  }
0x97: {  	_ =	strace $0x8FFFFFFF  }
0x98: {  	s19 =	sld [smem:$0x3FDB];
	_ =	sdelay $0x1  }
0x99: {  	s4 =	simm.s32 $_scs_section_size  }
0x9a: {  	s5 =	simm.s32 $_size__tile_overlayer_lowered;
	s6 =	simm.s32 $_tile_overlayer_lowered  }
0x9b: {  	s22 =	simm.s32 $0x1BFF;
	s21 =	sshll.u32 s6, $0x1;
	s3 =	sadd.s32 s4, s19  }
0x9c: {  	s7 =	simm.s32 $0x0;
	s20 =	sshll.u32 s5, $0x1;
	s5 =	sadd.s32 s21, s3  }
0x9d: {  	[timem:s7], [sflag:s22] =	dma.local [hbm:s5], s20  }
0x9e: {  	_ =	swait.ge [sflag:s22], s20  }
0x9f: {  	s4 =	ssub.s32 $0x0, s20;
	[sflag:s22] =	ssyncset.done $0x0  }
0xa0: {  	[sflag:s22] =	ssyncadd.s32 s4;
	_ =	sdelay $0x1  }
0xa1: {  	s23 =	simm.s32 $0x1B8B  }
0xa2: {  	_ =	swait.ge [sflag:s23], $0x1  }
0xa3: {  	[sflag:s23] =	ssyncset.done $0x0  }
0xa4: {  	s25 =	simm.s32 $0x1B8E;
	s24 =	sld [smem:$0x3FFE];
	[sflag:s23] =	ssyncadd.s32 $0xFFFFFFFF  }
0xa5: {  	s26 =	simm.s32 $execute0_lowered;
	[smem:$0x3FD2] =	sst s25  }
0xa6: {  	s5 =	sshll.u32 s26, $0x1;
	_ =	strace $0x80000046;
	[dreg:$0x1] =	wrdreg $0xFFFFFFFF  }
0xa7: {  	s28 =	simm.s32 $_size_execute0_lowered;
	s3 =	sadd.s32 s3, s5;
	[dreg:$0x0] =	wrdreg $0x0  }
0xa8: {  	s5 =	sshll.u32 s28, $0x1;
	[dreg:$0x2] =	wrdreg s3  }
0xa9: {  	[dreg:$0x3] =	wrdreg s5  }
0xaa: {  	[dreg:$0x4] =	wrdreg $0xC0  }
0xab: {  	_ =	task [dreg:s7], $0x5FFFF  }
0xac: {  	[dreg:$0x1] =	wrdreg $0xFFFFFFFF  }
0xad: {  	[dreg:$0x0] =	wrdreg $0x60  }
0xae: {  	[dreg:$0x2] =	wrdreg s24  }
0xaf: {  	[dreg:$0x3] =	wrdreg s2  }
0xb0: {  	[dreg:$0x4] =	wrdreg $0x9  }
0xb1: {  	_ =	task.clear_ibuf [dreg:s7], $0x5FFFF;
	_ =	strace $0x90000046  }
0xb2: {  	s29 =	simm.s32 $0x9;
	_ =	strace $0x80000048  }
0xb3: {  	_ =	swait.ge [sflag:s29], $0x1  }
0xb4: {  	[sflag:s29] =	ssyncadd.s32 $0xFFFFFFFF  }
0xb5: {  	_ =	strace $0x90000048  }
0xb6: {  	_ =	sfence  }
0xb7: {  	s30 =	sld [smem:$0x0];
	_ =	sdelay $0x2  }
0xb8: {  	s31 =	sshll.u32 s1, $0xD;
	s1 =	sshrl.u32 s1, $0x2  }
0xb9: {  	s3 =	sand.u32 $0x4000, s31;
	s1 =	sadd.s32 s1, s30  }
0xba: {  	s0 =	sor.u32 s3, s0;
	s1 =	sshll.u32 s1, $0x11  }
0xbb: {  	s0 =	sor.u32 s1, s0  }
0xbc: {  	s0 =	sadd.s32 $0x8F2B, s0  }
0xbd: {  	[sflag:s0] =	ssyncadd.remote.s32 $0x1  }
0xbe: {  	_ =	sfence.sel $0xFFFF  }
0xbf: {  	[dreg:$0x0] =	wrdreg $0xFFFFFFFF;
	(pc) =	sbr.abs _section_cstart, $3  }
0xc0: {  	[dreg:$0x1] =	wrdreg $0xFFFFFFFF  }
0xc1: {  	_ =	task.clear_ibuf [dreg:s7], $0x2FFFF;
	_ =	strace $0x9FFFFFFF  }
0xc2: {  	(tm) =	ssettm $0x7FFFFFFF  }
0xc3: {  	_ =	shalt  }
tec
execute0_lowered:
.L_overlay_start_1:
0x0: {  	(tag) =	ssettag $0x1  }
0x1: {  	s0 =	rddreg [dreg:$0x0]  }
0x2: {  	s1 =	rddreg [dreg:$0x1];
	s2 =	srdreg.scid  }
0x3: {  	s4 =	stileid.u32;
	s9 =	simm.s32 $0x1;
	s10 =	simm.s32 $0x220  }
0x4: {  	s11 =	simm.s32 $0x80;
	s12 =	simm.s32 $0x320;
	s13 =	simm.s32 $0x2A0  }
0x5: {  	s14 =	simm.s32 $0x3;
	s15 =	simm.s32 $0x2;
	s16 =	simm.s32 $0x1320  }
0x6: {  	s17 =	simm.s32 $0x4;
	s19 =	simm.s32 $0x0;
	s3 =	sand.u32 $0x1, s2  }
0x7: {  	s2 =	simm.s32 $0x0;
	s4 =	sshll.u32 s4, $0xA;
	s5 =	sshll.u32 s3, $0x9  }
0x8: {  	[smem:$0x7FF] =	sst s2;
	s6 =	ssub.s32 $0x2, s3;
	s3 =	sadd.s32 $0x3D1200, s0  }
0x9: {  	s5 =	sor.u32 s5, s4;
	_ =	strace $0x80000047;
	s8 =	sshrl.u32 s6, $0x1  }
0xa: {  	s4 =	sshrl.u32 s5, $0x3;
	s30 =	ssub.s32 s6, s8;
	s31 =	sshll.u32 s5, $0x2  }
0xb: {  	s8 =	simm.s32 $0x5;
	s7 =	sadd.s32 s4, s0;
	s4 =	sadd.s32 $0x800, s0  }
0xc: {  	v0 =	vimm.f32 $0.0e+00;
	s6 =	sadd.s32 s1, s31;
	s5 =	sadd.s32 $0x3EA400, s7;
	s7 =	smax.u32 s30, $0x1  }
.LBB2_1:
0xd: {  	[tilespmem:s2], [sflag:$0x5] =	stream.linear.gather [hbm4b:s5+s2], $0x220, $0x38;
	[tilespmem:$0x7360] =	vst v63  }
0xe: {  	_ =	swait.ge [sflag:s8], $0x220  }
0xf: {  	[sflag:s8] =	ssyncset.done $0x0  }
0x10: {  	[sflag:s8] =	ssyncadd.s32 $0xFFFFFDE0  }
0x11: {  	v1 =	vld [tilespmem:$0x0];
	_ =	sdelay $0x4  }
0x12: {  	(v2sf) =	vpush v1, $0x0;
	_ =	sdelay $0xe  }
0x13: {  	s20 =	spop (v2sf)  }
0x14: {  	s0 =	sand.u32 $0x7, s20  }
0x15: {  	s1 =	sshra.s32 s20, $0x1F;
	p0 =	slt.s32 s20, $0x1;
	p1 =	sne.s32 s0, $0x0  }
0x16: {  	s31 =	sshrl.u32 s1, $0x1D;
	p0 =	por !p0, !p1  }
0x17: {  	s1 =	simm.s32 $0x1;
	s0 =	sadd.s32 s31, s20;
	p0 =	por !p0, !p0  }
0x18: {  	s0 =	sshra.s32 s0, $0x3;
	s1 =	simm.s32 @!p0 $0x0  }
0x19: {  	s23 =	simm.s32 $0x201;
	s24 =	simm.s32 $0x201;
	s22 =	ssub.s32 s0, s1  }
0x1a: {  	v1 =	vld [tilespmem:$0x200];
	s0 =	simm.s32 $0x9;
	s1 =	simm.s32 $0x0;
	s21 =	sshll.u32 s22, $0x3  }
.LBB2_2:
0x1b: {  	s18 =	smov.u32 s1  }
0x1c: {  	p0 =	seq.s32 s0, $0x1;
	s1 =	sand.u32 $0x1, s24  }
0x1d: {  	p1 =	slt.s32 s24, $0x1;
	p2 =	seq.s32 s1, $0x1  }
0x1e: {  	s1 =	sshrl.u32 s24, $0x1F;
	p1 =	por !p1, !p2  }
0x1f: {  	s1 =	sadd.s32 s1, s24;
	s24 =	simm.s32 $0x1;
	p1 =	por !p1, !p1  }
0x20: {  	s1 =	sshra.s32 s1, $0x1;
	s24 =	simm.s32 @!p1 $0x0  }
0x21: {  	s24 =	ssub.s32 s1, s24  }
0x22: {  	v2 =	vld [tilespmem:s24+$0x0];
	_ =	sdelay $0x4  }
0x23: {  	(v2sf) =	vpush v2, $0x0;
	_ =	sdelay $0xd  }
.Ltmp0:
0x24: {  	(pc) =	sbr.rel @!p0 .LBB2_2-.Ltmp0, $4  }
0x25: {  	s1 =	spop (v2sf)  }
0x26: {  	p1 =	sgt.s32 s1, s21;
	s1 =	sadd.s32 $0x1, s24  }
0x27: {  	s1 =	smov.u32 @p1 s18;
	s23 =	smov.u32 @p1 s24  }
0x28: {  	s0 =	sadd.s32 $0xFFFFFFFF, s0;
	s24 =	sadd.s32 s1, s23  }
0x29: {  	s0 =	sand.u32 $0x1, s24  }
0x2a: {  	p0 =	slt.s32 s24, $0x1;
	p1 =	seq.s32 s0, $0x1  }
0x2b: {  	s30 =	sshrl.u32 s24, $0x1F;
	p0 =	por !p0, !p1  }
0x2c: {  	s18 =	simm.s32 $0x1;
	s0 =	sadd.s32 s30, s24;
	p0 =	por !p0, !p0  }
0x2d: {  	s0 =	sshra.s32 s0, $0x1;
	s18 =	simm.s32 @!p0 $0x0  }
0x2e: {  	s0 =	ssub.s32 s0, s18  }
0x2f: {  	v2 =	vld [tilespmem:s0+$0x0];
	_ =	sdelay $0x4  }
0x30: {  	(v2sf) =	vpush v2, $0x0;
	_ =	sdelay $0xe  }
0x31: {  	s31 =	spop (v2sf);
	(v2sf) =	vpush v1, $0x0;
	_ =	sdelay $0x7  }
0x32: {  	s26 =	sadd.s32 $0x1, s0;
	p0 =	sgt.s32 s31, s21  }
0x33: {  	s26 =	smov.u32 @p0 s1  }
0x34: {  	p0 =	sgt.s32 s26, $0x0  }
.Ltmp1:
0x35: {  	_ = 	snop;
	(pc) =	sbr.rel @!p0 .LBB2_7-.Ltmp1, $2  }
0x36: {  	_ =	sdelay $0x2  }
0x37: {  	s1 =	simm.s32 $0x3350;
	s0 =	spop (v2sf)  }
0x38: {  	p0 =	sne.s32 s26, $0x1  }
.Ltmp2:
0x39: {  	_ = 	snop;
	(pc) =	sbr.rel @!p0 .LBB2_6-.Ltmp2, $2  }
0x3a: {  	_ =	sdelay $0x2  }
0x3b: {  	s18 =	sadd.s32 $0xFFFFFFFF, s26;
	[tilespmem:s1+$0xFFFFFFF0] =	vst v0  }
.LBB2_5:
0x3c: {  	p0 =	sne.s32 s18, $0x1  }
.Ltmp3:
0x3d: {  	_ = 	snop;
	(pc) =	sbr.rel @p0 .LBB2_5-.Ltmp3, $3  }
0x3e: {  	_ =	sdelay $0x1  }
0x3f: {  	s18 =	sadd.s32 $0xFFFFFFFF, s18;
	[tilespmem:s1+$0x0] =	vst v0;
	s1 =	sadd.s32 $0x20, s1  }
0x40: {  	[tilespmem:s1+$0xFFFFFFF0] =	vst v0  }
.LBB2_6:
0x41: {  	[tilespmem:s1+$0x0] =	vst v0  }
.LBB2_7:
0x42: {  	s0 =	ssub.s32 s0, s21  }
0x43: {  	s0 =	sadd.s32 $0x7F, s0  }
0x44: {  	s28 =	sand.u32 $0x1FFFFFFF, s22;
	s22 =	simm.s32 $0x0;
	s1 =	sand.u32 $0x7F, s0  }
0x45: {  	s18 =	sshra.s32 s0, $0x1F;
	p0 =	slt.s32 s0, $0x1;
	p1 =	sne.s32 s1, $0x0  }
0x46: {  	s25 =	sshrl.u32 s18, $0x19;
	s1 =	sadd.s32 s3, s28;
	p0 =	por !p0, !p1  }
0x47: {  	[tilespmem:s10], [sflag:$0x1] =	stream.linear.gather [hbm4b:s1+s22], $0x80, $0x38;
	[tilespmem:$0x7360] =	vst v63  }
0x48: {  	s18 =	simm.s32 $0x1;
	s0 =	sadd.s32 s25, s0;
	p0 =	por !p0, !p0  }
0x49: {  	s0 =	sshra.s32 s0, $0x7;
	_ =	swait.ge [sflag:s9], $0x80;
	s18 =	simm.s32 @!p0 $0x0  }
0x4a: {  	[sflag:s9] =	ssyncset.done $0x0;
	s0 =	ssub.s32 s0, s18  }
0x4b: {  	s29 =	sadd.s32 $0x80, s21;
	[sflag:s9] =	ssyncadd.s32 $0xFFFFFF80;
	p0 =	sgt.s32 s0, $0x1  }
0x4c: {  	[tilespmem:s12], [sflag:$0x3] =	stream.indirect.gather [hbm4b:s4+s11], $0x20, s10, s11, $0xb8;
	[tilespmem:$0x7360] =	vst v63  }
0x4d: {  	s1 =	sshrl.u32 s29, $0x3;
	s0 =	simm.s32 @!p0 $0x1  }
.Ltmp4:
0x4e: {  	s30 =	sadd.s32 s3, s1;
	s0 =	sadd.s32 $0x1, s0;
	(pc) =	sbr.rel .LBB2_8-.Ltmp4, $4  }
0x4f: {  	[tilespmem:s13], [sflag:$0x2] =	stream.linear.gather [hbm4b:s30+s22], $0x80, $0x38;
	[tilespmem:$0x7360] =	vst v63  }
0x50: {  	s23 =	sshrl.u32 s0, $0x1  }
0x51: {  	s31 =	sshll.u32 s23, $0x8  }
0x52: {  	v1 =	vimm.f32 $0.0e+00;
	v2 =	vimm.f32 $0.0e+00;
	s25 =	simm.s32 $0x0;
	s24 =	sadd.s32 $0xFFFFFF80, s31  }
.LBB2_25:
0x53: {  	s30 =	smov.u32 s29  }
.LBB2_29:
0x54: {  	(v2sf) =	vpush v3, $0x0;
	_ =	sdelay $0xe  }
0x55: {  	s0 =	spop (v2sf)  }
0x56: {  	s0 =	ssub.s32 s0, s28  }
0x57: {  	s0 =	sshll.u32 s0, $0x7  }
0x58: {  	s0 =	sshra.s32 s0, $0x2  }
0x59: {  	v3 =	vld [tilespmem:s0+$0x2320];
	_ =	sdelay $0x2  }
0x5a: {  	s1 =	sadd.s32 @p0 $0x20, s30  }
0x5b: {  	s29 =	smov.u32 @p0 s1  }
0x5c: {  	[tilespmem:s29+$0xFFFFFFF0] =	vst v3  }
0x5d: {  	v3 =	vld [tilespmem:s0+$0x2330];
	_ =	sdelay $0x4  }
0x5e: {  	[tilespmem:s29+$0x0] =	vst v3  }
.LBB2_30:
0x5f: {  	s25 =	sadd.s32 $0x1, s25  }
0x60: {  	p0 =	sne.s32 s25, s23  }
.Ltmp5:
0x61: {  	_ = 	snop;
	(pc) =	sbr.rel @!p0 .LBB2_31-.Ltmp5, $1  }
0x62: {  	_ =	sdelay $0x3  }
.LBB2_8:
0x63: {  	_ =	swait.ge [sflag:s14], $0x1000;
	s28 =	sshll.u32 s25, $0x8  }
0x64: {  	[sflag:s14] =	ssyncset.done $0x0;
	s0 =	sadd.s32 $0x100, s28  }
0x65: {  	s1 =	smov.u32 s24;
	[sflag:s14] =	ssyncadd.s32 $0xFFFFF000;
	p0 =	slt.s32 s0, s24  }
0x66: {  	_ =	swait.ge [sflag:s15], $0x80;
	s1 =	smov.u32 @p0 s0  }
0x67: {  	[sflag:s15] =	ssyncset.done $0x0;
	s0 =	sadd.s32 s21, s1  }
0x68: {  	[sflag:s15] =	ssyncadd.s32 $0xFFFFFF80;
	s0 =	sshrl.u32 s0, $0x3  }
0x69: {  	[tilespmem:s16], [sflag:$0x4] =	stream.indirect.gather [hbm4b:s4+s11], $0x20, s13, s11, $0xb8;
	[tilespmem:$0x7360] =	vst v63  }
0x6a: {  	s0 =	sadd.s32 s3, s0  }
0x6b: {  	[tilespmem:s10], [sflag:$0x1] =	stream.linear.gather [hbm4b:s0+s22], $0x80, $0x38;
	[tilespmem:$0x7360] =	vst v63  }
0x6c: {  	s0 =	simm.s32 $0x0  }
0x6d: {  	v3 =	vld [tilespmem:s0+$0x330]  }
0x6e: {  	v4 =	vld [tilespmem:s0+$0x320]  }
0x6f: {  	s1 =	simm.s32 $0x80  }
.LBB2_9:
0x70: {  	p0 =	sne.s32 s1, $0x3F80  }
.Ltmp6:
0x71: {  	_ = 	snop;
	(pc) =	sbr.rel @p0 .LBB2_9-.Ltmp6, $4  }
0x72: {  	s18 =	sshra.s32 s1, $0x2;
	v1 =	vadd.f32 v3, v1  }
0x73: {  	v3 =	vld [tilespmem:s18+$0x330];
	v2 =	vadd.f32 v4, v2  }
0x74: {  	v4 =	vld [tilespmem:s18+$0x320];
	[tilespmem:s0+$0x2350] =	vst v1  }
0x75: {  	s1 =	sadd.s32 $0x80, s1;
	[tilespmem:s0+$0x2340] =	vst v2;
	s0 =	smov.u32 s18  }
0x76: {  	_ =	sdelay $0x1  }
0x77: {  	v1 =	vadd.f32 v3, v1  }
0x78: {  	v2 =	vadd.f32 v4, v2  }
0x79: {  	s30 =	sadd.s32 s21, s28;
	s1 =	simm.s32 $0x0;
	s31 =	simm.s32 $0x201;
	[tilespmem:s0+$0x2350] =	vst v1  }
0x7a: {  	s18 =	simm.s32 $0x201;
	s29 =	sadd.s32 $0x80, s30;
	[tilespmem:s0+$0x2340] =	vst v2;
	s0 =	simm.s32 $0x9  }
.LBB2_11:
0x7b: {  	s2 =	smov.u32 s1  }
0x7c: {  	p0 =	sne.s32 s0, $0x1;
	s1 =	sand.u32 $0x1, s18  }
0x7d: {  	p1 =	slt.s32 s18, $0x1;
	p2 =	seq.s32 s1, $0x1  }
0x7e: {  	s1 =	sshrl.u32 s18, $0x1F;
	p1 =	por !p1, !p2  }
0x7f: {  	s1 =	sadd.s32 s1, s18;
	s18 =	simm.s32 $0x1;
	p1 =	por !p1, !p1  }
0x80: {  	s1 =	sshra.s32 s1, $0x1;
	s18 =	simm.s32 @!p1 $0x0  }
0x81: {  	s18 =	ssub.s32 s1, s18  }
0x82: {  	v3 =	vld [tilespmem:s18+$0x0];
	_ =	sdelay $0x4  }
0x83: {  	(v2sf) =	vpush v3, $0x0;
	_ =	sdelay $0xd  }
.Ltmp7:
0x84: {  	(pc) =	sbr.rel @p0 .LBB2_11-.Ltmp7, $4  }
0x85: {  	s1 =	spop (v2sf)  }
0x86: {  	p1 =	sgt.s32 s1, s29;
	s1 =	sadd.s32 $0x1, s18  }
0x87: {  	s1 =	smov.u32 @p1 s2;
	s31 =	smov.u32 @p1 s18  }
0x88: {  	s0 =	sadd.s32 $0xFFFFFFFF, s0;
	s18 =	sadd.s32 s1, s31  }
0x89: {  	s0 =	sand.u32 $0x1, s18  }
0x8a: {  	p0 =	slt.s32 s18, $0x1;
	p1 =	seq.s32 s0, $0x1  }
0x8b: {  	s2 =	sshrl.u32 s18, $0x1F;
	p0 =	por !p0, !p1  }
0x8c: {  	s0 =	sadd.s32 s2, s18;
	s2 =	simm.s32 $0x1;
	p0 =	por !p0, !p0  }
0x8d: {  	s0 =	sshra.s32 s0, $0x1;
	s2 =	simm.s32 @!p0 $0x0  }
0x8e: {  	s0 =	ssub.s32 s0, s2  }
0x8f: {  	v3 =	vld [tilespmem:s0+$0x0];
	_ =	sdelay $0x4  }
0x90: {  	(v2sf) =	vpush v3, $0x0;
	_ =	sdelay $0xe  }
0x91: {  	s31 =	spop (v2sf)  }
0x92: {  	p0 =	sgt.s32 s31, s29;
	s29 =	sadd.s32 $0x1, s0  }
0x93: {  	s29 =	smov.u32 @p0 s1  }
0x94: {  	s1 =	ssub.s32 s29, s26  }
0x95: {  	p0 =	slt.s32 s1, $0x1  }
.Ltmp8:
0x96: {  	_ = 	snop;
	(pc) =	sbr.rel @p0 .LBB2_19-.Ltmp8, $1  }
0x97: {  	_ =	sdelay $0x3  }
0x98: {  	p1 =	sne.s32 s1, $0x1  }
.Ltmp9:
0x99: {  	_ = 	snop;
	(pc) =	sbr.rel @!p1 .LBB2_14-.Ltmp9, $4  }
0x9a: {  	_ = 	snop  }
0x9b: {  	s0 =	sshll.u32 s26, $0x7;
	s2 =	sshll.u32 s26, $0x2  }
0x9c: {  	s18 =	sshra.s32 s0, $0x2;
	s0 =	sshra.s32 s2, $0x2  }
0x9d: {  	s1 =	sadd.s32 $0xFFFFFFFF, s1;
	p0 =	por $0x0, $0x0;
	s26 =	sadd.s32 $0x3350, s18;
	v3 =	vld [tilespmem:s0+$0x0]  }
0x9e: {  	_ =	sdelay $0x3  }
0x9f: {  	(v2sf) =	vpush v3, $0x0;
	_ =	sdelay $0xe  }
0xa0: {  	s2 =	spop (v2sf)  }
0xa1: {  	s2 =	ssub.s32 s2, s30  }
0xa2: {  	s2 =	sshll.u32 s2, $0x7  }
0xa3: {  	s2 =	sshra.s32 s2, $0x2  }
0xa4: {  	v3 =	vld [tilespmem:s2+$0x2320];
	_ =	sdelay $0x4  }
0xa5: {  	[tilespmem:s26+$0xFFFFFFF0] =	vst v3  }
0xa6: {  	v3 =	vld [tilespmem:s2+$0x2330]  }
0xa7: {  	p1 =	sne.s32 s1, $0x1  }
.Ltmp10:
0xa8: {  	_ = 	snop;
	(pc) =	sbr.rel @!p1 .LBB2_16-.Ltmp10, $3  }
0xa9: {  	_ =	sdelay $0x1  }
0xaa: {  	s0 =	sadd.s32 $0x1, s0;
	[tilespmem:s26+$0x0] =	vst v3  }
0xab: {  	s1 =	sadd.s32 $0xFFFFFFFF, s1;
	p0 =	por $0x1, $0x1;
	s31 =	smov.u32 s26;
	v3 =	vld [tilespmem:s0+$0x0]  }
.LBB2_17:
0xac: {  	p1 =	sne.s32 s1, $0x1;
	_ =	sdelay $0x3  }
0xad: {  	(v2sf) =	vpush v3, $0x0;
	_ =	sdelay $0xe  }
0xae: {  	s2 =	spop (v2sf)  }
0xaf: {  	s2 =	ssub.s32 s2, s30  }
0xb0: {  	s2 =	sshll.u32 s2, $0x7  }
0xb1: {  	s2 =	sshra.s32 s2, $0x2  }
0xb2: {  	v3 =	vld [tilespmem:s2+$0x2320];
	_ =	sdelay $0x3  }
0xb3: {  	s31 =	sadd.s32 $0x20, s31  }
0xb4: {  	[tilespmem:s31+$0xFFFFFFF0] =	vst v3  }
0xb5: {  	v3 =	vld [tilespmem:s2+$0x2330];
	_ =	sdelay $0x1  }
.Ltmp11:
0xb6: {  	(pc) =	sbr.rel @p1 .LBB2_17-.Ltmp11, $3  }
0xb7: {  	_ =	sdelay $0x1  }
0xb8: {  	s0 =	sadd.s32 $0x1, s0;
	[tilespmem:s31+$0x0] =	vst v3  }
0xb9: {  	s1 =	sadd.s32 $0xFFFFFFFF, s1;
	v3 =	vld [tilespmem:s0+$0x0]  }
.LBB2_18:
0xba: {  	_ =	sdelay $0x3  }
0xbb: {  	(v2sf) =	vpush v3, $0x0;
	_ =	sdelay $0xe  }
0xbc: {  	s0 =	spop (v2sf)  }
0xbd: {  	s0 =	ssub.s32 s0, s30  }
0xbe: {  	s0 =	sshll.u32 s0, $0x7  }
0xbf: {  	s0 =	sshra.s32 s0, $0x2  }
0xc0: {  	v3 =	vld [tilespmem:s0+$0x2320];
	_ =	sdelay $0x2  }
0xc1: {  	s1 =	sadd.s32 @p0 $0x20, s31  }
0xc2: {  	s26 =	smov.u32 @p0 s1  }
0xc3: {  	[tilespmem:s26+$0xFFFFFFF0] =	vst v3  }
0xc4: {  	v3 =	vld [tilespmem:s0+$0x2330];
	_ =	sdelay $0x4  }
0xc5: {  	[tilespmem:s26+$0x0] =	vst v3  }
.LBB2_19:
0xc6: {  	_ =	swait.ge [sflag:s17], $0x1000  }
0xc7: {  	s0 =	sadd.s32 $0x180, s28;
	[sflag:s17] =	ssyncset.done $0x0  }
0xc8: {  	s1 =	smov.u32 s24;
	p0 =	slt.s32 s0, s24;
	[sflag:s17] =	ssyncadd.s32 $0xFFFFF000  }
0xc9: {  	s1 =	smov.u32 @p0 s0;
	_ =	swait.ge [sflag:s9], $0x80  }
0xca: {  	s0 =	sadd.s32 s21, s1;
	[sflag:s9] =	ssyncset.done $0x0  }
0xcb: {  	s0 =	sshrl.u32 s0, $0x3;
	[sflag:s9] =	ssyncadd.s32 $0xFFFFFF80  }
0xcc: {  	[tilespmem:s12], [sflag:$0x3] =	stream.indirect.gather [hbm4b:s4+s11], $0x20, s10, s11, $0xb8;
	[tilespmem:$0x7360] =	vst v63  }
0xcd: {  	s31 =	simm.s32 $0x0;
	s0 =	sadd.s32 s3, s0  }
0xce: {  	[tilespmem:s13], [sflag:$0x2] =	stream.linear.gather [hbm4b:s0+s31], $0x80, $0x38;
	[tilespmem:$0x7360] =	vst v63  }
0xcf: {  	s0 =	simm.s32 $0x0  }
0xd0: {  	v3 =	vld [tilespmem:s0+$0x1330]  }
0xd1: {  	v4 =	vld [tilespmem:s0+$0x1320]  }
0xd2: {  	s18 =	simm.s32 $0x80;
	s1 =	sor.u32 $0x80, s28  }
.LBB2_20:
0xd3: {  	p0 =	sne.s32 s18, $0x3F80  }
.Ltmp12:
0xd4: {  	_ = 	snop;
	(pc) =	sbr.rel @p0 .LBB2_20-.Ltmp12, $4  }
0xd5: {  	s2 =	sshra.s32 s18, $0x2;
	v1 =	vadd.f32 v3, v1  }
0xd6: {  	v3 =	vld [tilespmem:s2+$0x1330];
	v2 =	vadd.f32 v4, v2  }
0xd7: {  	v4 =	vld [tilespmem:s2+$0x1320];
	[tilespmem:s0+$0x2350] =	vst v1  }
0xd8: {  	s18 =	sadd.s32 $0x80, s18;
	[tilespmem:s0+$0x2340] =	vst v2;
	s0 =	smov.u32 s2  }
0xd9: {  	_ =	sdelay $0x1  }
0xda: {  	v1 =	vadd.f32 v3, v1  }
0xdb: {  	v2 =	vadd.f32 v4, v2  }
0xdc: {  	s28 =	sadd.s32 s21, s1;
	s30 =	simm.s32 $0x0;
	s18 =	simm.s32 $0x201;
	[tilespmem:s0+$0x2350] =	vst v1  }
0xdd: {  	s1 =	simm.s32 $0x9;
	s26 =	sadd.s32 $0x80, s28;
	[tilespmem:s0+$0x2340] =	vst v2;
	s0 =	simm.s32 $0x201  }
.LBB2_22:
0xde: {  	s2 =	smov.u32 s30  }
0xdf: {  	p0 =	sne.s32 s1, $0x1;
	s30 =	sand.u32 $0x1, s18  }
0xe0: {  	p1 =	slt.s32 s18, $0x1;
	p2 =	seq.s32 s30, $0x1  }
0xe1: {  	s30 =	sshrl.u32 s18, $0x1F;
	p1 =	por !p1, !p2  }
0xe2: {  	s18 =	sadd.s32 s30, s18;
	s30 =	simm.s32 $0x1;
	p1 =	por !p1, !p1  }
0xe3: {  	s18 =	sshra.s32 s18, $0x1;
	s30 =	simm.s32 @!p1 $0x0  }
0xe4: {  	s18 =	ssub.s32 s18, s30  }
0xe5: {  	v3 =	vld [tilespmem:s18+$0x0];
	_ =	sdelay $0x4  }
0xe6: {  	(v2sf) =	vpush v3, $0x0;
	_ =	sdelay $0xd  }
.Ltmp13:
0xe7: {  	(pc) =	sbr.rel @p0 .LBB2_22-.Ltmp13, $4  }
0xe8: {  	s30 =	spop (v2sf)  }
0xe9: {  	p1 =	sgt.s32 s30, s26;
	s30 =	sadd.s32 $0x1, s18  }
0xea: {  	s30 =	smov.u32 @p1 s2;
	s0 =	smov.u32 @p1 s18  }
0xeb: {  	s1 =	sadd.s32 $0xFFFFFFFF, s1;
	s18 =	sadd.s32 s30, s0  }
0xec: {  	s0 =	sand.u32 $0x1, s18  }
0xed: {  	p0 =	slt.s32 s18, $0x1;
	p1 =	seq.s32 s0, $0x1  }
0xee: {  	s2 =	sshrl.u32 s18, $0x1F;
	p0 =	por !p0, !p1  }
0xef: {  	s1 =	simm.s32 $0x1;
	s0 =	sadd.s32 s2, s18;
	p0 =	por !p0, !p0  }
0xf0: {  	s0 =	sshra.s32 s0, $0x1;
	s1 =	simm.s32 @!p0 $0x0  }
0xf1: {  	s0 =	ssub.s32 s0, s1  }
0xf2: {  	v3 =	vld [tilespmem:s0+$0x0];
	_ =	sdelay $0x4  }
0xf3: {  	(v2sf) =	vpush v3, $0x0;
	_ =	sdelay $0xe  }
0xf4: {  	s31 =	spop (v2sf)  }
0xf5: {  	p0 =	sgt.s32 s31, s26;
	s26 =	sadd.s32 $0x1, s0  }
0xf6: {  	s26 =	smov.u32 @p0 s30  }
0xf7: {  	s1 =	ssub.s32 s26, s29  }
0xf8: {  	p0 =	slt.s32 s1, $0x1  }
.Ltmp14:
0xf9: {  	_ = 	snop;
	(pc) =	sbr.rel @p0 .LBB2_30-.Ltmp14, $1  }
0xfa: {  	_ =	sdelay $0x3  }
0xfb: {  	s0 =	sshll.u32 s29, $0x7;
	s2 =	sshll.u32 s29, $0x2  }
0xfc: {  	p1 =	sne.s32 s1, $0x1;
	s18 =	sshra.s32 s0, $0x2;
	s0 =	sshra.s32 s2, $0x2  }
.Ltmp15:
0xfd: {  	v3 =	vld [tilespmem:s0+$0x0];
	(pc) =	sbr.rel @!p1 .LBB2_25-.Ltmp15, $2  }
0xfe: {  	_ =	sdelay $0x2  }
0xff: {  	s1 =	sadd.s32 $0xFFFFFFFF, s1;
	p0 =	por $0x0, $0x0;
	s29 =	sadd.s32 $0x3350, s18  }
0x100: {  	(v2sf) =	vpush v3, $0x0;
	_ =	sdelay $0xe  }
0x101: {  	s2 =	spop (v2sf)  }
0x102: {  	s2 =	ssub.s32 s2, s28  }
0x103: {  	s2 =	sshll.u32 s2, $0x7  }
0x104: {  	s2 =	sshra.s32 s2, $0x2  }
0x105: {  	v3 =	vld [tilespmem:s2+$0x2320];
	_ =	sdelay $0x4  }
0x106: {  	[tilespmem:s29+$0xFFFFFFF0] =	vst v3  }
0x107: {  	v3 =	vld [tilespmem:s2+$0x2330];
	_ =	sdelay $0x4  }
0x108: {  	p1 =	sne.s32 s1, $0x1;
	s0 =	sadd.s32 $0x1, s0;
	[tilespmem:s29+$0x0] =	vst v3  }
.Ltmp16:
0x109: {  	v3 =	vld [tilespmem:s0+$0x0];
	(pc) =	sbr.rel @!p1 .LBB2_27-.Ltmp16, $2  }
0x10a: {  	_ =	sdelay $0x2  }
0x10b: {  	s1 =	sadd.s32 $0xFFFFFFFF, s1;
	p0 =	por $0x1, $0x1;
	s30 =	smov.u32 s29  }
.LBB2_28:
0x10c: {  	p1 =	sne.s32 s1, $0x1;
	_ =	sdelay $0x3  }
0x10d: {  	(v2sf) =	vpush v3, $0x0;
	_ =	sdelay $0xe  }
0x10e: {  	s2 =	spop (v2sf)  }
0x10f: {  	s2 =	ssub.s32 s2, s28  }
0x110: {  	s2 =	sshll.u32 s2, $0x7  }
0x111: {  	s2 =	sshra.s32 s2, $0x2  }
0x112: {  	v3 =	vld [tilespmem:s2+$0x2320];
	_ =	sdelay $0x3  }
0x113: {  	s30 =	sadd.s32 $0x20, s30  }
0x114: {  	[tilespmem:s30+$0xFFFFFFF0] =	vst v3  }
0x115: {  	v3 =	vld [tilespmem:s2+$0x2330];
	_ =	sdelay $0x1  }
.Ltmp17:
0x116: {  	(pc) =	sbr.rel @p1 .LBB2_28-.Ltmp17, $3  }
0x117: {  	_ =	sdelay $0x1  }
0x118: {  	s0 =	sadd.s32 $0x1, s0;
	[tilespmem:s30+$0x0] =	vst v3  }
0x119: {  	s1 =	sadd.s32 $0xFFFFFFFF, s1;
	v3 =	vld [tilespmem:s0+$0x0]  }
.Ltmp18:
0x11a: {  	_ = 	snop;
	(pc) =	sbr.rel .LBB2_29-.Ltmp18, $1  }
0x11b: {  	_ =	sdelay $0x3  }
.LBB2_14:
.Ltmp19:
0x11c: {  	(pc) =	sbr.rel .LBB2_18-.Ltmp19, $2  }
0x11d: {  	_ =	sdelay $0x2  }
0x11e: {  	s31 =	smov.u32 s26  }
.LBB2_16:
.Ltmp20:
0x11f: {  	(pc) =	sbr.rel .LBB2_18-.Ltmp20, $2  }
0x120: {  	_ =	sdelay $0x2  }
0x121: {  	s31 =	smov.u32 s26  }
.LBB2_27:
.Ltmp21:
0x122: {  	(pc) =	sbr.rel .LBB2_29-.Ltmp21, $2  }
0x123: {  	_ =	sdelay $0x2  }
0x124: {  	s30 =	smov.u32 s29  }
.LBB2_31:
0x125: {  	_ =	swait.ge [sflag:s14], $0x1000  }
0x126: {  	[sflag:s14] =	ssyncset.done $0x0  }
0x127: {  	[sflag:s14] =	ssyncadd.s32 $0xFFFFF000  }
0x128: {  	_ =	swait.ge [sflag:s15], $0x80  }
0x129: {  	[sflag:s15] =	ssyncset.done $0x0  }
0x12a: {  	s0 =	simm.s32 $0x0;
	[sflag:s15] =	ssyncadd.s32 $0xFFFFFF80  }
0x12b: {  	v1 =	vld [tilespmem:s0+$0x1];
	_ =	sdelay $0x4  }
0x12c: {  	(v2sf) =	vpush v1, $0x0;
	_ =	sdelay $0xe  }
0x12d: {  	s21 =	spop (v2sf)  }
0x12e: {  	s31 =	ssub.s32 s21, s20  }
0x12f: {  	s0 =	scvt.s32.f32 s31;
	_ =	sdelay $0x1  }
0x130: {  	s0 =	smax.f32 s0, $1.000000000e+00  }
0x131: {  	v1 =	vmov s0  }
0x132: {  	(erf) = vrcp.f32 v1  }
0x133: {  	v3 =	vld [tilespmem:$0x3340]  }
0x134: {  	v4 =	vld [tilespmem:$0x3350];
	s20 =	simm.s32 $0x3360  }
0x135: {  	v1 =	vld [tilespmem:s20+$0x0]  }
0x136: {  	v2 =	vld [tilespmem:s20+$0x10];
	_ =	sdelay $0x3  }
0x137: {  	v3 =	vsub.f32 v1, v3  }
0x138: {  	v4 =	vsub.f32 v2, v4;
	v5 =	vpop (erf)  }
0x139: {  	v3 =	vmul.f32 v5, v3  }
0x13a: {  	v4 =	vmul.f32 v5, v4  }
0x13b: {  	[tilespmem:s20+$0xFFFFFFE0] =	vst v3  }
0x13c: {  	s22 =	simm.s32 $0x8;
	s2 =	simm.s32 $0x0;
	s0 =	simm.s32 $0x1;
	[tilespmem:s20+$0xFFFFFFF0] =	vst v4  }
.LBB2_32:
0x13d: {  	p0 =	sne.s32 s22, $0x7FC;
	v3 =	vld [tilespmem:s0+$0x1];
	_ =	sdelay $0x4  }
0x13e: {  	(v2sf) =	vpush v3, $0x0;
	_ =	sdelay $0xe  }
0x13f: {  	s0 =	spop (v2sf)  }
0x140: {  	s1 =	ssub.s32 s0, s21;
	s21 =	smov.u32 s0  }
0x141: {  	s0 =	scvt.s32.f32 s1;
	_ =	sdelay $0x1  }
0x142: {  	s0 =	smax.f32 s0, $1.000000000e+00  }
0x143: {  	v3 =	vmov s0  }
0x144: {  	(erf) = vrcp.f32 v3  }
0x145: {  	s20 =	sadd.s32 $0x20, s20  }
0x146: {  	v3 =	vld [tilespmem:s20+$0x0]  }
0x147: {  	v4 =	vld [tilespmem:s20+$0x10];
	_ =	sdelay $0x4  }
0x148: {  	v5 =	vsub.f32 v3, v1;
	v1 =	vmovc v3;
	v6 =	vsub.f32 v4, v2;
	v2 =	vmov v4  }
.Ltmp22:
0x149: {  	v3 =	vpop (erf);
	(pc) =	sbr.rel @p0 .LBB2_32-.Ltmp22, $3  }
0x14a: {  	v4 =	vmul.f32 v3, v5;
	v3 =	vmul.f32 v3, v6;
	_ =	sdelay $0x1  }
0x14b: {  	[tilespmem:s20+$0xFFFFFFE0] =	vst v4  }
0x14c: {  	s0 =	sshra.s32 s22, $0x2;
	s22 =	sadd.s32 $0x4, s22;
	[tilespmem:s20+$0xFFFFFFF0] =	vst v3  }
0x14d: {  	v3 =	vld [tilespmem:s0+$0x1];
	_ =	sdelay $0x4  }
0x14e: {  	(v2sf) =	vpush v3, $0x0;
	_ =	sdelay $0xe  }
0x14f: {  	s29 =	spop (v2sf)  }
0x150: {  	s0 =	ssub.s32 s29, s21  }
0x151: {  	s0 =	scvt.s32.f32 s0;
	_ =	sdelay $0x1  }
0x152: {  	s0 =	smax.f32 s0, $1.000000000e+00  }
0x153: {  	v3 =	vmov s0  }
0x154: {  	(erf) = vrcp.f32 v3;
	_ =	sdelay $0x1  }
0x155: {  	s30 =	sadd.s32 $0x20, s20  }
0x156: {  	v3 =	vld [tilespmem:s30+$0x0]  }
0x157: {  	v4 =	vld [tilespmem:s30+$0x10];
	_ =	sdelay $0x3  }
0x158: {  	v1 =	vsub.f32 v3, v1  }
0x159: {  	v2 =	vsub.f32 v4, v2;
	v3 =	vpop (erf)  }
0x15a: {  	v1 =	vmul.f32 v3, v1  }
0x15b: {  	s19 =	sadd.s32 $0x1, s19;
	v2 =	vmul.f32 v3, v2  }
0x15c: {  	p0 =	sne.s32 s19, s7;
	[tilespmem:s30+$0xFFFFFFE0] =	vst v1  }
.Ltmp23:
0x15d: {  	s31 =	simm.s32 $0x3340;
	[tilespmem:s30+$0xFFFFFFF0] =	vst v2;
	(pc) =	sbr.rel @p0 .LBB2_1-.Ltmp23, $4  }
0x15e: {  	[hbm4b:s6+s2] =	stream.linear.scatter [tilespmem:s31], [sflag:$0x5], $0x4000, $0x38;
	[tilespmem:$0x7360] =	vst v63  }
0x15f: {  	_ =	swait.ge [sflag:s8], $0x4000  }
0x160: {  	[sflag:s8] =	ssyncset.done $0x0  }
0x161: {  	[sflag:s8] =	ssyncadd.s32 $0xFFFFC000  }
0x162: {  	_ =	sfence.sel $0x180000  }
0x163: {  	[bflag:$0x0] =	sbarrier.arrive $0xFFFF  }
0x164: {  	_ =	strace $0x90000047  }
0x165: {  	s0 =	stileid.u32;
	[bflag:$0x2] =	sbarrier.arrive $0xFFFF  }
0x166: {  	p0 =	sne.s32 s0, $0x0;
	s0 =	rddreg [dreg:$0x2]  }
0x167: {  	s0 =	sadd.s32 @!p0 $0x100000, s0  }
0x168: {  	[sflag:s0] =	ssyncadd.tile.s32 @!p0 $0x1;
	_ =	shalt  }
.Lfunc_end2:
_tile_overlayer_lowered:
.L_overlay_start_2:
0x169: {  	(tag) =	ssettag $0x2  }
0x16a: {  	s0 =	rddreg [dreg:$0x0];
	s2 =	stileid.u32  }
0x16b: {  	s1 =	rddreg [dreg:$0x1];
	p0 =	sne.s32 s2, $0x0  }
0x16c: {  	s3 =	rddreg [dreg:$0x2];
	[bflag:$0x3] =	sbarrier.arrive $0xFFFF;
	s2 =	simm.s32 @!p0 $0x1C05  }
0x16d: {  	[timem:s3], [sflag:s2] =	dma.local @!p0 [hbm:s0], s1  }
0x16e: {  	s0 =	simm.s32 @!p0 $0x5  }
0x16f: {  	_ =	swait.ge @!p0 [sflag:s0], s1  }
0x170: {  	s1 =	ssub.s32 @!p0 $0x0, s1;
	[sflag:s0] =	ssyncset.done @!p0 $0x0  }
0x171: {  	[sflag:s0] =	ssyncadd.s32 @!p0 s1  }
0x172: {  	[bflag:$0x3] =	sbarrier.arrive $0xFFFF  }
0x173: {  	_ =	shalt  }

</sc_bundles>
